<compile_context>
chip_gen: v7x
topology: tpu7x:2x2x1
jax: 0.10.2.dev20260603
libtpu: 0.0.44.dev20260713+nightly
codegen_flags: <defaults>
</compile_context>

<pallas_src>
import functools

import jax
import jax.numpy as jnp
from jax import lax
from jax.experimental import pallas as pl
from jax.experimental.pallas import tpu as pltpu
from jax.experimental.pallas import tpu_sc as plsc

B = 64
H = 224
W = 224
C = 8
WC = W * C
PIX = H * W
N = B * PIX


def _tc_body(x_ref, dx_ref, dy_ref, tab_ref, idx_ref):
    b = pl.program_id(0)
    blk = x_ref[0]
    v = blk[0:222, :] + blk[2:224, :]
    t = (v[:, 0 : WC - 2 * C] + v[:, 2 * C : WC]) * 0.25
    tab_ref[0] = jnp.pad(t, ((1, 1), (C, C)))

    dx = dx_ref[0]
    dy = dy_ref[0]
    xg = lax.broadcasted_iota(jnp.int32, (H, W), 1).astype(jnp.float32)
    yg = lax.broadcasted_iota(jnp.int32, (H, W), 0).astype(jnp.float32)
    xi = jnp.mod(xg + dx, 224.0).astype(jnp.int32)
    yi = jnp.mod(yg + dy, 224.0).astype(jnp.int32)
    xi = jnp.minimum(xi, 223)
    yi = jnp.minimum(yi, 223)
    idx_ref[0] = (b * H + yi) * W + xi


def _tc_stage(x8, dx, dy):
    return pl.pallas_call(
        _tc_body,
        grid=(B,),
        in_specs=[
            pl.BlockSpec((1, H, WC), lambda b: (b, 0, 0)),
            pl.BlockSpec((1, H, W), lambda b: (b, 0, 0)),
            pl.BlockSpec((1, H, W), lambda b: (b, 0, 0)),
        ],
        out_specs=[
            pl.BlockSpec((1, H, WC), lambda b: (b, 0, 0)),
            pl.BlockSpec((1, H, W), lambda b: (b, 0, 0)),
        ],
        out_shape=[
            jax.ShapeDtypeStruct((B, H, WC), jnp.float32),
            jax.ShapeDtypeStruct((B, H, W), jnp.int32),
        ],
    )(x8, dx, dy)


_NC = 2
_NS = 16
_NW = _NC * _NS
SUB = 128
G = 16
NROW = N // SUB
PER_W = NROW // _NW
N_CHUNKS = PER_W // G


CPX = G * SUB
ECH = CPX * 3


def _sc_gather(table, idx2):
    mesh = plsc.VectorSubcoreMesh(core_axis_name="c", subcore_axis_name="s")

    @functools.partial(
        pl.kernel,
        mesh=mesh,
        out_type=jax.ShapeDtypeStruct((NROW, SUB, C), jnp.float32),
        compiler_params=pltpu.CompilerParams(
            use_tc_tiling_on_sc=False, needs_layout_passes=False
        ),
        scratch_types=[
            pltpu.VMEM((G, SUB), jnp.int32),
            pltpu.VMEM((G, SUB, C), jnp.float32),
            pltpu.SemaphoreType.DMA,
        ],
    )
    def k(table_hbm, idx_hbm, out_hbm, idx_v, rows_v, sem):
        wid = lax.axis_index("s") * _NC + lax.axis_index("c")
        base = wid * PER_W

        def body(i, _):
            off = base + i * G
            pltpu.sync_copy(idx_hbm.at[pl.ds(off, G)], idx_v)
            descs = [
                pltpu.async_copy(
                    table_hbm.at[idx_v.at[j]],
                    rows_v.at[j],
                    sem,
                )
                for j in range(G)
            ]
            for d in descs:
                d.wait()

            pltpu.sync_copy(rows_v, out_hbm.at[pl.ds(off, G)])
            return 0

        lax.fori_loop(0, N_CHUNKS, body, 0)

    return k(table, idx2)


def kernel(x):
    x8 = jnp.pad(x, ((0, 0), (0, 0), (0, 0), (0, 3))).reshape(B, H, WC)
    dx = x[:, :, :, 3]
    dy = x[:, :, :, 4]
    tab, idx = _tc_stage(x8, dx, dy)
    out8 = _sc_gather(tab.reshape(N, C), idx.reshape(NROW, SUB))
    return out8.reshape(B, H, W, C)[..., 0:3]

# --- scband reference (transcript-rebuilt; emitter-appended) ---
"""Pipeline reference for scband-bilinear-31379031065270 (READ-ONLY COPY).

The authoritative reference and input builder live on the scoring server;
editing this copy changes nothing except your own understanding.
"""

import jax, jax.numpy as jnp
import numpy as np

B = 64

def setup_inputs(seed: int = 0):
    key = jax.random.key(seed)
    x = jax.random.normal(key, (B, 224, 224, 5), dtype=jnp.float32)
    return {"x": x}

def reference(x):
    # channels 0:3 = image, channel 3 = dx, channel 4 = dy
    img = x[..., 0:3]
    dx = x[..., 3]
    dy = x[..., 4]
    xs = jnp.arange(224, dtype=jnp.float32)
    # tf.meshgrid default indexing='xy': X[i,j]=j, Y[i,j]=i
    X, Y = jnp.meshgrid(xs, xs)
    # floormod like TF's %, then cast->int32 (truncation == floor since values >= 0)
    Xi = jnp.mod(X[None, :, :] + dx, 224.0).astype(jnp.int32)
    Yi = jnp.mod(Y[None, :, :] + dy, 224.0).astype(jnp.int32)
    # simple 4-corner bilinear average (offsets 0 and 2 in H and W)
    tl = img[:, 0:222, 0:222, :]
    tr = img[:, 0:222, 2:224, :]
    bl = img[:, 2:224, 0:222, :]
    br = img[:, 2:224, 2:224, :]
    smooth = (tl + tr + bl + br) / 4.0
    # spatial_2d_padding (1,1): pad H and W by 1 on each side with zeros
    padded = jnp.pad(smooth, ((0, 0), (1, 1), (1, 1), (0, 0)))
    # per-batch gather_nd: out[b,i,j,:] = padded[b, Yi[b,i,j], Xi[b,i,j], :]
    out = jax.vmap(lambda p, yy, xx: p[yy, xx])(padded, Yi, Xi)
    return out

if __name__ == "__main__":
    import jax
    _d = setup_inputs()
    print(jax.jit(kernel)(*tuple(_d.values())))

</pallas_src>

<mosaic_0001>
#map = affine_map<(d0, d1) -> (0, 0)>
#map1 = affine_map<(d0, d1) -> (0, 0, 0)>
module attributes {stable_mosaic.version = 14 : i64} {
  func.func @k(%arg0: i32, %arg1: i32, %arg2: memref<3211264x8xf32, #tpu.memory_space<hbm>>, %arg3: memref<25088x128xi32, #tpu.memory_space<hbm>>, %arg4: memref<25088x128x8xf32, #tpu.memory_space<hbm>>, %arg5: memref<16x128xi32, #tpu.memory_space<vmem>>, %arg6: memref<16x128x8xf32, #tpu.memory_space<vmem>>, %arg7: memref<!tpu.dma_semaphore, #tpu.memory_space<semaphore_mem>>) attributes {dimension_semantics = [#tpu.dimension_semantics<core_parallel>, #tpu.dimension_semantics<subcore_parallel>], iteration_bounds = array<i64: 2, 16>, scalar_prefetch = 0 : i64, scratch_operands = 3 : i64, tpu.core_type = #tpu.core_type<sc_vector_subcore>, window_params = [{transform_indices = #map}, {transform_indices = #map}, {transform_indices = #map1}]} {
    %mul3A = arith.constant 2 : i32
    %mul3A_0 = arith.muli %arg1, %mul3A : i32
    %add3A = arith.addi %mul3A_0, %arg0 : i32
    %mul3A_1 = arith.constant 784 : i32
    %mul3A_2 = arith.muli %add3A, %mul3A_1 : i32
    %scan3A = arith.constant 0 : i32
    %scan3A_3 = arith.constant 0 : i32
    %scan3A_4 = arith.constant 49 : i32
    %scan3A_5 = arith.addi %scan3A_3, %scan3A_4 : i32
    %scan3A_6 = arith.constant 1 : i32
    %scan3A_7 = scf.for %scan3A_9 = %scan3A_3 to %scan3A_5 step %scan3A_6 iter_args(%scan3A_10 = %scan3A) -> (i32)  : i32 {
      %mul3A_11 = arith.constant 16 : i32
      %mul3A_12 = arith.muli %scan3A_9, %mul3A_11 : i32
      %add3A_13 = arith.addi %mul3A_2, %mul3A_12 : i32
      "tpu.region"() ({
        %run_scoped3A = tpu.sem_alloc : memref<!tpu.dma_semaphore, #tpu.memory_space<semaphore_mem>>
        %dma_start3A_397 = arith.constant 0 : i32
        %dma_start3A_398 = tpu.memref_slice %arg3[%add3A_13, %dma_start3A_397] : memref<25088x128xi32, #tpu.memory_space<hbm>> -> memref<16x128xi32, #tpu.memory_space<hbm>>
        %dma_start3A_399 = arith.constant 0 : i32
        %dma_start3A_400 = tpu.memref_slice %arg3[%add3A_13, %dma_start3A_399] : memref<25088x128xi32, #tpu.memory_space<hbm>> -> memref<16x128xi32, #tpu.memory_space<hbm>>
        tpu.enqueue_dma source(%dma_start3A_400 : memref<16x128xi32, #tpu.memory_space<hbm>>) target(%arg5 : memref<16x128xi32, #tpu.memory_space<vmem>>) target_semaphore(%run_scoped3A : memref<!tpu.dma_semaphore, #tpu.memory_space<semaphore_mem>>)
        %dma_wait3A_401 = arith.constant 0 : i32
        %dma_wait3A_402 = tpu.memref_slice %arg3[%add3A_13, %dma_wait3A_401] : memref<25088x128xi32, #tpu.memory_space<hbm>> -> memref<16x128xi32, #tpu.memory_space<hbm>>
        %dma_wait3A_403 = arith.constant 0 : i32
        %dma_wait3A_404 = tpu.memref_slice %arg3[%add3A_13, %dma_wait3A_403] : memref<25088x128xi32, #tpu.memory_space<hbm>> -> memref<16x128xi32, #tpu.memory_space<hbm>>
        tpu.wait_dma2 semaphore(%run_scoped3A : memref<!tpu.dma_semaphore, #tpu.memory_space<semaphore_mem>>) src(%dma_wait3A_404 : memref<16x128xi32, #tpu.memory_space<hbm>>) dst(%arg5 : memref<16x128xi32, #tpu.memory_space<vmem>>)
        tpu.yield
      }) : () -> ()
      %dma_start3A = arith.constant 0 : i32
      %dma_start3A_14 = arith.constant 0 : i32
      %dma_start3A_15 = arith.constant 0 : i32
      %dma_start3A_16 = arith.constant 0 : i32
      %dma_start3A_17 = tpu.memref_slice %arg6[%dma_start3A_14, %dma_start3A_15, %dma_start3A_16] : memref<16x128x8xf32, #tpu.memory_space<vmem>> -> memref<1x128x8xf32, #tpu.memory_space<vmem>>
      %dma_start3A_18 = tpu.memref_squeeze %dma_start3A_17 : memref<1x128x8xf32, #tpu.memory_space<vmem>> -> memref<128x8xf32, #tpu.memory_space<vmem>>
      %dma_start3A_19 = arith.constant 0 : i32
      %dma_start3A_20 = tpu.memref_slice %arg5[%dma_start3A, %dma_start3A_19] : memref<16x128xi32, #tpu.memory_space<vmem>> -> memref<1x128xi32, #tpu.memory_space<vmem>>
      %dma_start3A_21 = tpu.memref_squeeze %dma_start3A_20 : memref<1x128xi32, #tpu.memory_space<vmem>> -> memref<128xi32, #tpu.memory_space<vmem>>
      %dma_start3A_22 = arith.constant 0 : i32
      %dma_start3A_23 = arith.constant 0 : i32
      %dma_start3A_24 = tpu.memref_slice %arg2[%dma_start3A_22, %dma_start3A_23] : memref<3211264x8xf32, #tpu.memory_space<hbm>> -> memref<3211264x8xf32, #tpu.memory_space<hbm>>
      tpu.enqueue_indirect_dma source(%dma_start3A_24 : memref<3211264x8xf32, #tpu.memory_space<hbm>>) target(%dma_start3A_18 : memref<128x8xf32, #tpu.memory_space<vmem>>) offsets(%dma_start3A_21 : memref<128xi32, #tpu.memory_space<vmem>>) semaphore(%arg7 : memref<!tpu.dma_semaphore, #tpu.memory_space<semaphore_mem>>)
      %dma_start3A_25 = arith.constant 1 : i32
      %dma_start3A_26 = arith.constant 1 : i32
      %dma_start3A_27 = arith.constant 0 : i32
      %dma_start3A_28 = arith.constant 0 : i32
      %dma_start3A_29 = tpu.memref_slice %arg6[%dma_start3A_26, %dma_start3A_27, %dma_start3A_28] : memref<16x128x8xf32, #tpu.memory_space<vmem>> -> memref<1x128x8xf32, #tpu.memory_space<vmem>>
      %dma_start3A_30 = tpu.memref_squeeze %dma_start3A_29 : memref<1x128x8xf32, #tpu.memory_space<vmem>> -> memref<128x8xf32, #tpu.memory_space<vmem>>
      %dma_start3A_31 = arith.constant 0 : i32
      %dma_start3A_32 = tpu.memref_slice %arg5[%dma_start3A_25, %dma_start3A_31] : memref<16x128xi32, #tpu.memory_space<vmem>> -> memref<1x128xi32, #tpu.memory_space<vmem>>
      %dma_start3A_33 = tpu.memref_squeeze %dma_start3A_32 : memref<1x128xi32, #tpu.memory_space<vmem>> -> memref<128xi32, #tpu.memory_space<vmem>>
      %dma_start3A_34 = arith.constant 0 : i32
      %dma_start3A_35 = arith.constant 0 : i32
      %dma_start3A_36 = tpu.memref_slice %arg2[%dma_start3A_34, %dma_start3A_35] : memref<3211264x8xf32, #tpu.memory_space<hbm>> -> memref<3211264x8xf32, #tpu.memory_space<hbm>>
      tpu.enqueue_indirect_dma source(%dma_start3A_36 : memref<3211264x8xf32, #tpu.memory_space<hbm>>) target(%dma_start3A_30 : memref<128x8xf32, #tpu.memory_space<vmem>>) offsets(%dma_start3A_33 : memref<128xi32, #tpu.memory_space<vmem>>) semaphore(%arg7 : memref<!tpu.dma_semaphore, #tpu.memory_space<semaphore_mem>>)
      %dma_start3A_37 = arith.constant 2 : i32
      %dma_start3A_38 = arith.constant 2 : i32
      %dma_start3A_39 = arith.constant 0 : i32
      %dma_start3A_40 = arith.constant 0 : i32
      %dma_start3A_41 = tpu.memref_slice %arg6[%dma_start3A_38, %dma_start3A_39, %dma_start3A_40] : memref<16x128x8xf32, #tpu.memory_space<vmem>> -> memref<1x128x8xf32, #tpu.memory_space<vmem>>
      %dma_start3A_42 = tpu.memref_squeeze %dma_start3A_41 : memref<1x128x8xf32, #tpu.memory_space<vmem>> -> memref<128x8xf32, #tpu.memory_space<vmem>>
      %dma_start3A_43 = arith.constant 0 : i32
      %dma_start3A_44 = tpu.memref_slice %arg5[%dma_start3A_37, %dma_start3A_43] : memref<16x128xi32, #tpu.memory_space<vmem>> -> memref<1x128xi32, #tpu.memory_space<vmem>>
      %dma_start3A_45 = tpu.memref_squeeze %dma_start3A_44 : memref<1x128xi32, #tpu.memory_space<vmem>> -> memref<128xi32, #tpu.memory_space<vmem>>
      %dma_start3A_46 = arith.constant 0 : i32
      %dma_start3A_47 = arith.constant 0 : i32
      %dma_start3A_48 = tpu.memref_slice %arg2[%dma_start3A_46, %dma_start3A_47] : memref<3211264x8xf32, #tpu.memory_space<hbm>> -> memref<3211264x8xf32, #tpu.memory_space<hbm>>
      tpu.enqueue_indirect_dma source(%dma_start3A_48 : memref<3211264x8xf32, #tpu.memory_space<hbm>>) target(%dma_start3A_42 : memref<128x8xf32, #tpu.memory_space<vmem>>) offsets(%dma_start3A_45 : memref<128xi32, #tpu.memory_space<vmem>>) semaphore(%arg7 : memref<!tpu.dma_semaphore, #tpu.memory_space<semaphore_mem>>)
      %dma_start3A_49 = arith.constant 3 : i32
      %dma_start3A_50 = arith.constant 3 : i32
      %dma_start3A_51 = arith.constant 0 : i32
      %dma_start3A_52 = arith.constant 0 : i32
      %dma_start3A_53 = tpu.memref_slice %arg6[%dma_start3A_50, %dma_start3A_51, %dma_start3A_52] : memref<16x128x8xf32, #tpu.memory_space<vmem>> -> memref<1x128x8xf32, #tpu.memory_space<vmem>>
      %dma_start3A_54 = tpu.memref_squeeze %dma_start3A_53 : memref<1x128x8xf32, #tpu.memory_space<vmem>> -> memref<128x8xf32, #tpu.memory_space<vmem>>
      %dma_start3A_55 = arith.constant 0 : i32
      %dma_start3A_56 = tpu.memref_slice %arg5[%dma_start3A_49, %dma_start3A_55] : memref<16x128xi32, #tpu.memory_space<vmem>> -> memref<1x128xi32, #tpu.memory_space<vmem>>
      %dma_start3A_57 = tpu.memref_squeeze %dma_start3A_56 : memref<1x128xi32, #tpu.memory_space<vmem>> -> memref<128xi32, #tpu.memory_space<vmem>>
      %dma_start3A_58 = arith.constant 0 : i32
      %dma_start3A_59 = arith.constant 0 : i32
      %dma_start3A_60 = tpu.memref_slice %arg2[%dma_start3A_58, %dma_start3A_59] : memref<3211264x8xf32, #tpu.memory_space<hbm>> -> memref<3211264x8xf32, #tpu.memory_space<hbm>>
      tpu.enqueue_indirect_dma source(%dma_start3A_60 : memref<3211264x8xf32, #tpu.memory_space<hbm>>) target(%dma_start3A_54 : memref<128x8xf32, #tpu.memory_space<vmem>>) offsets(%dma_start3A_57 : memref<128xi32, #tpu.memory_space<vmem>>) semaphore(%arg7 : memref<!tpu.dma_semaphore, #tpu.memory_space<semaphore_mem>>)
      %dma_start3A_61 = arith.constant 4 : i32
      %dma_start3A_62 = arith.constant 4 : i32
      %dma_start3A_63 = arith.constant 0 : i32
      %dma_start3A_64 = arith.constant 0 : i32
      %dma_start3A_65 = tpu.memref_slice %arg6[%dma_start3A_62, %dma_start3A_63, %dma_start3A_64] : memref<16x128x8xf32, #tpu.memory_space<vmem>> -> memref<1x128x8xf32, #tpu.memory_space<vmem>>
      %dma_start3A_66 = tpu.memref_squeeze %dma_start3A_65 : memref<1x128x8xf32, #tpu.memory_space<vmem>> -> memref<128x8xf32, #tpu.memory_space<vmem>>
      %dma_start3A_67 = arith.constant 0 : i32
      %dma_start3A_68 = tpu.memref_slice %arg5[%dma_start3A_61, %dma_start3A_67] : memref<16x128xi32, #tpu.memory_space<vmem>> -> memref<1x128xi32, #tpu.memory_space<vmem>>
      %dma_start3A_69 = tpu.memref_squeeze %dma_start3A_68 : memref<1x128xi32, #tpu.memory_space<vmem>> -> memref<128xi32, #tpu.memory_space<vmem>>
      %dma_start3A_70 = arith.constant 0 : i32
      %dma_start3A_71 = arith.constant 0 : i32
      %dma_start3A_72 = tpu.memref_slice %arg2[%dma_start3A_70, %dma_start3A_71] : memref<3211264x8xf32, #tpu.memory_space<hbm>> -> memref<3211264x8xf32, #tpu.memory_space<hbm>>
      tpu.enqueue_indirect_dma source(%dma_start3A_72 : memref<3211264x8xf32, #tpu.memory_space<hbm>>) target(%dma_start3A_66 : memref<128x8xf32, #tpu.memory_space<vmem>>) offsets(%dma_start3A_69 : memref<128xi32, #tpu.memory_space<vmem>>) semaphore(%arg7 : memref<!tpu.dma_semaphore, #tpu.memory_space<semaphore_mem>>)
      %dma_start3A_73 = arith.constant 5 : i32
      %dma_start3A_74 = arith.constant 5 : i32
      %dma_start3A_75 = arith.constant 0 : i32
      %dma_start3A_76 = arith.constant 0 : i32
      %dma_start3A_77 = tpu.memref_slice %arg6[%dma_start3A_74, %dma_start3A_75, %dma_start3A_76] : memref<16x128x8xf32, #tpu.memory_space<vmem>> -> memref<1x128x8xf32, #tpu.memory_space<vmem>>
      %dma_start3A_78 = tpu.memref_squeeze %dma_start3A_77 : memref<1x128x8xf32, #tpu.memory_space<vmem>> -> memref<128x8xf32, #tpu.memory_space<vmem>>
      %dma_start3A_79 = arith.constant 0 : i32
      %dma_start3A_80 = tpu.memref_slice %arg5[%dma_start3A_73, %dma_start3A_79] : memref<16x128xi32, #tpu.memory_space<vmem>> -> memref<1x128xi32, #tpu.memory_space<vmem>>
      %dma_start3A_81 = tpu.memref_squeeze %dma_start3A_80 : memref<1x128xi32, #tpu.memory_space<vmem>> -> memref<128xi32, #tpu.memory_space<vmem>>
      %dma_start3A_82 = arith.constant 0 : i32
      %dma_start3A_83 = arith.constant 0 : i32
      %dma_start3A_84 = tpu.memref_slice %arg2[%dma_start3A_82, %dma_start3A_83] : memref<3211264x8xf32, #tpu.memory_space<hbm>> -> memref<3211264x8xf32, #tpu.memory_space<hbm>>
      tpu.enqueue_indirect_dma source(%dma_start3A_84 : memref<3211264x8xf32, #tpu.memory_space<hbm>>) target(%dma_start3A_78 : memref<128x8xf32, #tpu.memory_space<vmem>>) offsets(%dma_start3A_81 : memref<128xi32, #tpu.memory_space<vmem>>) semaphore(%arg7 : memref<!tpu.dma_semaphore, #tpu.memory_space<semaphore_mem>>)
      %dma_start3A_85 = arith.constant 6 : i32
      %dma_start3A_86 = arith.constant 6 : i32
      %dma_start3A_87 = arith.constant 0 : i32
      %dma_start3A_88 = arith.constant 0 : i32
      %dma_start3A_89 = tpu.memref_slice %arg6[%dma_start3A_86, %dma_start3A_87, %dma_start3A_88] : memref<16x128x8xf32, #tpu.memory_space<vmem>> -> memref<1x128x8xf32, #tpu.memory_space<vmem>>
      %dma_start3A_90 = tpu.memref_squeeze %dma_start3A_89 : memref<1x128x8xf32, #tpu.memory_space<vmem>> -> memref<128x8xf32, #tpu.memory_space<vmem>>
      %dma_start3A_91 = arith.constant 0 : i32
      %dma_start3A_92 = tpu.memref_slice %arg5[%dma_start3A_85, %dma_start3A_91] : memref<16x128xi32, #tpu.memory_space<vmem>> -> memref<1x128xi32, #tpu.memory_space<vmem>>
      %dma_start3A_93 = tpu.memref_squeeze %dma_start3A_92 : memref<1x128xi32, #tpu.memory_space<vmem>> -> memref<128xi32, #tpu.memory_space<vmem>>
      %dma_start3A_94 = arith.constant 0 : i32
      %dma_start3A_95 = arith.constant 0 : i32
      %dma_start3A_96 = tpu.memref_slice %arg2[%dma_start3A_94, %dma_start3A_95] : memref<3211264x8xf32, #tpu.memory_space<hbm>> -> memref<3211264x8xf32, #tpu.memory_space<hbm>>
      tpu.enqueue_indirect_dma source(%dma_start3A_96 : memref<3211264x8xf32, #tpu.memory_space<hbm>>) target(%dma_start3A_90 : memref<128x8xf32, #tpu.memory_space<vmem>>) offsets(%dma_start3A_93 : memref<128xi32, #tpu.memory_space<vmem>>) semaphore(%arg7 : memref<!tpu.dma_semaphore, #tpu.memory_space<semaphore_mem>>)
      %dma_start3A_97 = arith.constant 7 : i32
      %dma_start3A_98 = arith.constant 7 : i32
      %dma_start3A_99 = arith.constant 0 : i32
      %dma_start3A_100 = arith.constant 0 : i32
      %dma_start3A_101 = tpu.memref_slice %arg6[%dma_start3A_98, %dma_start3A_99, %dma_start3A_100] : memref<16x128x8xf32, #tpu.memory_space<vmem>> -> memref<1x128x8xf32, #tpu.memory_space<vmem>>
      %dma_start3A_102 = tpu.memref_squeeze %dma_start3A_101 : memref<1x128x8xf32, #tpu.memory_space<vmem>> -> memref<128x8xf32, #tpu.memory_space<vmem>>
      %dma_start3A_103 = arith.constant 0 : i32
      %dma_start3A_104 = tpu.memref_slice %arg5[%dma_start3A_97, %dma_start3A_103] : memref<16x128xi32, #tpu.memory_space<vmem>> -> memref<1x128xi32, #tpu.memory_space<vmem>>
      %dma_start3A_105 = tpu.memref_squeeze %dma_start3A_104 : memref<1x128xi32, #tpu.memory_space<vmem>> -> memref<128xi32, #tpu.memory_space<vmem>>
      %dma_start3A_106 = arith.constant 0 : i32
      %dma_start3A_107 = arith.constant 0 : i32
      %dma_start3A_108 = tpu.memref_slice %arg2[%dma_start3A_106, %dma_start3A_107] : memref<3211264x8xf32, #tpu.memory_space<hbm>> -> memref<3211264x8xf32, #tpu.memory_space<hbm>>
      tpu.enqueue_indirect_dma source(%dma_start3A_108 : memref<3211264x8xf32, #tpu.memory_space<hbm>>) target(%dma_start3A_102 : memref<128x8xf32, #tpu.memory_space<vmem>>) offsets(%dma_start3A_105 : memref<128xi32, #tpu.memory_space<vmem>>) semaphore(%arg7 : memref<!tpu.dma_semaphore, #tpu.memory_space<semaphore_mem>>)
      %dma_start3A_109 = arith.constant 8 : i32
      %dma_start3A_110 = arith.constant 8 : i32
      %dma_start3A_111 = arith.constant 0 : i32
      %dma_start3A_112 = arith.constant 0 : i32
      %dma_start3A_113 = tpu.memref_slice %arg6[%dma_start3A_110, %dma_start3A_111, %dma_start3A_112] : memref<16x128x8xf32, #tpu.memory_space<vmem>> -> memref<1x128x8xf32, #tpu.memory_space<vmem>>
      %dma_start3A_114 = tpu.memref_squeeze %dma_start3A_113 : memref<1x128x8xf32, #tpu.memory_space<vmem>> -> memref<128x8xf32, #tpu.memory_space<vmem>>
      %dma_start3A_115 = arith.constant 0 : i32
      %dma_start3A_116 = tpu.memref_slice %arg5[%dma_start3A_109, %dma_start3A_115] : memref<16x128xi32, #tpu.memory_space<vmem>> -> memref<1x128xi32, #tpu.memory_space<vmem>>
      %dma_start3A_117 = tpu.memref_squeeze %dma_start3A_116 : memref<1x128xi32, #tpu.memory_space<vmem>> -> memref<128xi32, #tpu.memory_space<vmem>>
      %dma_start3A_118 = arith.constant 0 : i32
      %dma_start3A_119 = arith.constant 0 : i32
      %dma_start3A_120 = tpu.memref_slice %arg2[%dma_start3A_118, %dma_start3A_119] : memref<3211264x8xf32, #tpu.memory_space<hbm>> -> memref<3211264x8xf32, #tpu.memory_space<hbm>>
      tpu.enqueue_indirect_dma source(%dma_start3A_120 : memref<3211264x8xf32, #tpu.memory_space<hbm>>) target(%dma_start3A_114 : memref<128x8xf32, #tpu.memory_space<vmem>>) offsets(%dma_start3A_117 : memref<128xi32, #tpu.memory_space<vmem>>) semaphore(%arg7 : memref<!tpu.dma_semaphore, #tpu.memory_space<semaphore_mem>>)
      %dma_start3A_121 = arith.constant 9 : i32
      %dma_start3A_122 = arith.constant 9 : i32
      %dma_start3A_123 = arith.constant 0 : i32
      %dma_start3A_124 = arith.constant 0 : i32
      %dma_start3A_125 = tpu.memref_slice %arg6[%dma_start3A_122, %dma_start3A_123, %dma_start3A_124] : memref<16x128x8xf32, #tpu.memory_space<vmem>> -> memref<1x128x8xf32, #tpu.memory_space<vmem>>
      %dma_start3A_126 = tpu.memref_squeeze %dma_start3A_125 : memref<1x128x8xf32, #tpu.memory_space<vmem>> -> memref<128x8xf32, #tpu.memory_space<vmem>>
      %dma_start3A_127 = arith.constant 0 : i32
      %dma_start3A_128 = tpu.memref_slice %arg5[%dma_start3A_121, %dma_start3A_127] : memref<16x128xi32, #tpu.memory_space<vmem>> -> memref<1x128xi32, #tpu.memory_space<vmem>>
      %dma_start3A_129 = tpu.memref_squeeze %dma_start3A_128 : memref<1x128xi32, #tpu.memory_space<vmem>> -> memref<128xi32, #tpu.memory_space<vmem>>
      %dma_start3A_130 = arith.constant 0 : i32
      %dma_start3A_131 = arith.constant 0 : i32
      %dma_start3A_132 = tpu.memref_slice %arg2[%dma_start3A_130, %dma_start3A_131] : memref<3211264x8xf32, #tpu.memory_space<hbm>> -> memref<3211264x8xf32, #tpu.memory_space<hbm>>
      tpu.enqueue_indirect_dma source(%dma_start3A_132 : memref<3211264x8xf32, #tpu.memory_space<hbm>>) target(%dma_start3A_126 : memref<128x8xf32, #tpu.memory_space<vmem>>) offsets(%dma_start3A_129 : memref<128xi32, #tpu.memory_space<vmem>>) semaphore(%arg7 : memref<!tpu.dma_semaphore, #tpu.memory_space<semaphore_mem>>)
      %dma_start3A_133 = arith.constant 10 : i32
      %dma_start3A_134 = arith.constant 10 : i32
      %dma_start3A_135 = arith.constant 0 : i32
      %dma_start3A_136 = arith.constant 0 : i32
      %dma_start3A_137 = tpu.memref_slice %arg6[%dma_start3A_134, %dma_start3A_135, %dma_start3A_136] : memref<16x128x8xf32, #tpu.memory_space<vmem>> -> memref<1x128x8xf32, #tpu.memory_space<vmem>>
      %dma_start3A_138 = tpu.memref_squeeze %dma_start3A_137 : memref<1x128x8xf32, #tpu.memory_space<vmem>> -> memref<128x8xf32, #tpu.memory_space<vmem>>
      %dma_start3A_139 = arith.constant 0 : i32
      %dma_start3A_140 = tpu.memref_slice %arg5[%dma_start3A_133, %dma_start3A_139] : memref<16x128xi32, #tpu.memory_space<vmem>> -> memref<1x128xi32, #tpu.memory_space<vmem>>
      %dma_start3A_141 = tpu.memref_squeeze %dma_start3A_140 : memref<1x128xi32, #tpu.memory_space<vmem>> -> memref<128xi32, #tpu.memory_space<vmem>>
      %dma_start3A_142 = arith.constant 0 : i32
      %dma_start3A_143 = arith.constant 0 : i32
      %dma_start3A_144 = tpu.memref_slice %arg2[%dma_start3A_142, %dma_start3A_143] : memref<3211264x8xf32, #tpu.memory_space<hbm>> -> memref<3211264x8xf32, #tpu.memory_space<hbm>>
      tpu.enqueue_indirect_dma source(%dma_start3A_144 : memref<3211264x8xf32, #tpu.memory_space<hbm>>) target(%dma_start3A_138 : memref<128x8xf32, #tpu.memory_space<vmem>>) offsets(%dma_start3A_141 : memref<128xi32, #tpu.memory_space<vmem>>) semaphore(%arg7 : memref<!tpu.dma_semaphore, #tpu.memory_space<semaphore_mem>>)
      %dma_start3A_145 = arith.constant 11 : i32
      %dma_start3A_146 = arith.constant 11 : i32
      %dma_start3A_147 = arith.constant 0 : i32
      %dma_start3A_148 = arith.constant 0 : i32
      %dma_start3A_149 = tpu.memref_slice %arg6[%dma_start3A_146, %dma_start3A_147, %dma_start3A_148] : memref<16x128x8xf32, #tpu.memory_space<vmem>> -> memref<1x128x8xf32, #tpu.memory_space<vmem>>
      %dma_start3A_150 = tpu.memref_squeeze %dma_start3A_149 : memref<1x128x8xf32, #tpu.memory_space<vmem>> -> memref<128x8xf32, #tpu.memory_space<vmem>>
      %dma_start3A_151 = arith.constant 0 : i32
      %dma_start3A_152 = tpu.memref_slice %arg5[%dma_start3A_145, %dma_start3A_151] : memref<16x128xi32, #tpu.memory_space<vmem>> -> memref<1x128xi32, #tpu.memory_space<vmem>>
      %dma_start3A_153 = tpu.memref_squeeze %dma_start3A_152 : memref<1x128xi32, #tpu.memory_space<vmem>> -> memref<128xi32, #tpu.memory_space<vmem>>
      %dma_start3A_154 = arith.constant 0 : i32
      %dma_start3A_155 = arith.constant 0 : i32
      %dma_start3A_156 = tpu.memref_slice %arg2[%dma_start3A_154, %dma_start3A_155] : memref<3211264x8xf32, #tpu.memory_space<hbm>> -> memref<3211264x8xf32, #tpu.memory_space<hbm>>
      tpu.enqueue_indirect_dma source(%dma_start3A_156 : memref<3211264x8xf32, #tpu.memory_space<hbm>>) target(%dma_start3A_150 : memref<128x8xf32, #tpu.memory_space<vmem>>) offsets(%dma_start3A_153 : memref<128xi32, #tpu.memory_space<vmem>>) semaphore(%arg7 : memref<!tpu.dma_semaphore, #tpu.memory_space<semaphore_mem>>)
      %dma_start3A_157 = arith.constant 12 : i32
      %dma_start3A_158 = arith.constant 12 : i32
      %dma_start3A_159 = arith.constant 0 : i32
      %dma_start3A_160 = arith.constant 0 : i32
      %dma_start3A_161 = tpu.memref_slice %arg6[%dma_start3A_158, %dma_start3A_159, %dma_start3A_160] : memref<16x128x8xf32, #tpu.memory_space<vmem>> -> memref<1x128x8xf32, #tpu.memory_space<vmem>>
      %dma_start3A_162 = tpu.memref_squeeze %dma_start3A_161 : memref<1x128x8xf32, #tpu.memory_space<vmem>> -> memref<128x8xf32, #tpu.memory_space<vmem>>
      %dma_start3A_163 = arith.constant 0 : i32
      %dma_start3A_164 = tpu.memref_slice %arg5[%dma_start3A_157, %dma_start3A_163] : memref<16x128xi32, #tpu.memory_space<vmem>> -> memref<1x128xi32, #tpu.memory_space<vmem>>
      %dma_start3A_165 = tpu.memref_squeeze %dma_start3A_164 : memref<1x128xi32, #tpu.memory_space<vmem>> -> memref<128xi32, #tpu.memory_space<vmem>>
      %dma_start3A_166 = arith.constant 0 : i32
      %dma_start3A_167 = arith.constant 0 : i32
      %dma_start3A_168 = tpu.memref_slice %arg2[%dma_start3A_166, %dma_start3A_167] : memref<3211264x8xf32, #tpu.memory_space<hbm>> -> memref<3211264x8xf32, #tpu.memory_space<hbm>>
      tpu.enqueue_indirect_dma source(%dma_start3A_168 : memref<3211264x8xf32, #tpu.memory_space<hbm>>) target(%dma_start3A_162 : memref<128x8xf32, #tpu.memory_space<vmem>>) offsets(%dma_start3A_165 : memref<128xi32, #tpu.memory_space<vmem>>) semaphore(%arg7 : memref<!tpu.dma_semaphore, #tpu.memory_space<semaphore_mem>>)
      %dma_start3A_169 = arith.constant 13 : i32
      %dma_start3A_170 = arith.constant 13 : i32
      %dma_start3A_171 = arith.constant 0 : i32
      %dma_start3A_172 = arith.constant 0 : i32
      %dma_start3A_173 = tpu.memref_slice %arg6[%dma_start3A_170, %dma_start3A_171, %dma_start3A_172] : memref<16x128x8xf32, #tpu.memory_space<vmem>> -> memref<1x128x8xf32, #tpu.memory_space<vmem>>
      %dma_start3A_174 = tpu.memref_squeeze %dma_start3A_173 : memref<1x128x8xf32, #tpu.memory_space<vmem>> -> memref<128x8xf32, #tpu.memory_space<vmem>>
      %dma_start3A_175 = arith.constant 0 : i32
      %dma_start3A_176 = tpu.memref_slice %arg5[%dma_start3A_169, %dma_start3A_175] : memref<16x128xi32, #tpu.memory_space<vmem>> -> memref<1x128xi32, #tpu.memory_space<vmem>>
      %dma_start3A_177 = tpu.memref_squeeze %dma_start3A_176 : memref<1x128xi32, #tpu.memory_space<vmem>> -> memref<128xi32, #tpu.memory_space<vmem>>
      %dma_start3A_178 = arith.constant 0 : i32
      %dma_start3A_179 = arith.constant 0 : i32
      %dma_start3A_180 = tpu.memref_slice %arg2[%dma_start3A_178, %dma_start3A_179] : memref<3211264x8xf32, #tpu.memory_space<hbm>> -> memref<3211264x8xf32, #tpu.memory_space<hbm>>
      tpu.enqueue_indirect_dma source(%dma_start3A_180 : memref<3211264x8xf32, #tpu.memory_space<hbm>>) target(%dma_start3A_174 : memref<128x8xf32, #tpu.memory_space<vmem>>) offsets(%dma_start3A_177 : memref<128xi32, #tpu.memory_space<vmem>>) semaphore(%arg7 : memref<!tpu.dma_semaphore, #tpu.memory_space<semaphore_mem>>)
      %dma_start3A_181 = arith.constant 14 : i32
      %dma_start3A_182 = arith.constant 14 : i32
      %dma_start3A_183 = arith.constant 0 : i32
      %dma_start3A_184 = arith.constant 0 : i32
      %dma_start3A_185 = tpu.memref_slice %arg6[%dma_start3A_182, %dma_start3A_183, %dma_start3A_184] : memref<16x128x8xf32, #tpu.memory_space<vmem>> -> memref<1x128x8xf32, #tpu.memory_space<vmem>>
      %dma_start3A_186 = tpu.memref_squeeze %dma_start3A_185 : memref<1x128x8xf32, #tpu.memory_space<vmem>> -> memref<128x8xf32, #tpu.memory_space<vmem>>
      %dma_start3A_187 = arith.constant 0 : i32
      %dma_start3A_188 = tpu.memref_slice %arg5[%dma_start3A_181, %dma_start3A_187] : memref<16x128xi32, #tpu.memory_space<vmem>> -> memref<1x128xi32, #tpu.memory_space<vmem>>
      %dma_start3A_189 = tpu.memref_squeeze %dma_start3A_188 : memref<1x128xi32, #tpu.memory_space<vmem>> -> memref<128xi32, #tpu.memory_space<vmem>>
      %dma_start3A_190 = arith.constant 0 : i32
      %dma_start3A_191 = arith.constant 0 : i32
      %dma_start3A_192 = tpu.memref_slice %arg2[%dma_start3A_190, %dma_start3A_191] : memref<3211264x8xf32, #tpu.memory_space<hbm>> -> memref<3211264x8xf32, #tpu.memory_space<hbm>>
      tpu.enqueue_indirect_dma source(%dma_start3A_192 : memref<3211264x8xf32, #tpu.memory_space<hbm>>) target(%dma_start3A_186 : memref<128x8xf32, #tpu.memory_space<vmem>>) offsets(%dma_start3A_189 : memref<128xi32, #tpu.memory_space<vmem>>) semaphore(%arg7 : memref<!tpu.dma_semaphore, #tpu.memory_space<semaphore_mem>>)
      %dma_start3A_193 = arith.constant 15 : i32
      %dma_start3A_194 = arith.constant 15 : i32
      %dma_start3A_195 = arith.constant 0 : i32
      %dma_start3A_196 = arith.constant 0 : i32
      %dma_start3A_197 = tpu.memref_slice %arg6[%dma_start3A_194, %dma_start3A_195, %dma_start3A_196] : memref<16x128x8xf32, #tpu.memory_space<vmem>> -> memref<1x128x8xf32, #tpu.memory_space<vmem>>
      %dma_start3A_198 = tpu.memref_squeeze %dma_start3A_197 : memref<1x128x8xf32, #tpu.memory_space<vmem>> -> memref<128x8xf32, #tpu.memory_space<vmem>>
      %dma_start3A_199 = arith.constant 0 : i32
      %dma_start3A_200 = tpu.memref_slice %arg5[%dma_start3A_193, %dma_start3A_199] : memref<16x128xi32, #tpu.memory_space<vmem>> -> memref<1x128xi32, #tpu.memory_space<vmem>>
      %dma_start3A_201 = tpu.memref_squeeze %dma_start3A_200 : memref<1x128xi32, #tpu.memory_space<vmem>> -> memref<128xi32, #tpu.memory_space<vmem>>
      %dma_start3A_202 = arith.constant 0 : i32
      %dma_start3A_203 = arith.constant 0 : i32
      %dma_start3A_204 = tpu.memref_slice %arg2[%dma_start3A_202, %dma_start3A_203] : memref<3211264x8xf32, #tpu.memory_space<hbm>> -> memref<3211264x8xf32, #tpu.memory_space<hbm>>
      tpu.enqueue_indirect_dma source(%dma_start3A_204 : memref<3211264x8xf32, #tpu.memory_space<hbm>>) target(%dma_start3A_198 : memref<128x8xf32, #tpu.memory_space<vmem>>) offsets(%dma_start3A_201 : memref<128xi32, #tpu.memory_space<vmem>>) semaphore(%arg7 : memref<!tpu.dma_semaphore, #tpu.memory_space<semaphore_mem>>)
      %dma_wait3A = arith.constant 0 : i32
      %dma_wait3A_205 = arith.constant 0 : i32
      %dma_wait3A_206 = arith.constant 0 : i32
      %dma_wait3A_207 = arith.constant 0 : i32
      %dma_wait3A_208 = tpu.memref_slice %arg6[%dma_wait3A_205, %dma_wait3A_206, %dma_wait3A_207] : memref<16x128x8xf32, #tpu.memory_space<vmem>> -> memref<1x128x8xf32, #tpu.memory_space<vmem>>
      %dma_wait3A_209 = tpu.memref_squeeze %dma_wait3A_208 : memref<1x128x8xf32, #tpu.memory_space<vmem>> -> memref<128x8xf32, #tpu.memory_space<vmem>>
      %dma_wait3A_210 = arith.constant 0 : i32
      %dma_wait3A_211 = tpu.memref_slice %arg5[%dma_wait3A, %dma_wait3A_210] : memref<16x128xi32, #tpu.memory_space<vmem>> -> memref<1x128xi32, #tpu.memory_space<vmem>>
      %dma_wait3A_212 = tpu.memref_squeeze %dma_wait3A_211 : memref<1x128xi32, #tpu.memory_space<vmem>> -> memref<128xi32, #tpu.memory_space<vmem>>
      %dma_wait3A_213 = arith.constant 0 : i32
      %dma_wait3A_214 = arith.constant 0 : i32
      %dma_wait3A_215 = tpu.memref_slice %arg2[%dma_wait3A_213, %dma_wait3A_214] : memref<3211264x8xf32, #tpu.memory_space<hbm>> -> memref<3211264x8xf32, #tpu.memory_space<hbm>>
      tpu.wait_indirect_dma semaphore(%arg7 : memref<!tpu.dma_semaphore, #tpu.memory_space<semaphore_mem>>) src(%dma_wait3A_215 : memref<3211264x8xf32, #tpu.memory_space<hbm>>) dst(%dma_wait3A_209 : memref<128x8xf32, #tpu.memory_space<vmem>>)
      %dma_wait3A_216 = arith.constant 1 : i32
      %dma_wait3A_217 = arith.constant 1 : i32
      %dma_wait3A_218 = arith.constant 0 : i32
      %dma_wait3A_219 = arith.constant 0 : i32
      %dma_wait3A_220 = tpu.memref_slice %arg6[%dma_wait3A_217, %dma_wait3A_218, %dma_wait3A_219] : memref<16x128x8xf32, #tpu.memory_space<vmem>> -> memref<1x128x8xf32, #tpu.memory_space<vmem>>
      %dma_wait3A_221 = tpu.memref_squeeze %dma_wait3A_220 : memref<1x128x8xf32, #tpu.memory_space<vmem>> -> memref<128x8xf32, #tpu.memory_space<vmem>>
      %dma_wait3A_222 = arith.constant 0 : i32
      %dma_wait3A_223 = tpu.memref_slice %arg5[%dma_wait3A_216, %dma_wait3A_222] : memref<16x128xi32, #tpu.memory_space<vmem>> -> memref<1x128xi32, #tpu.memory_space<vmem>>
      %dma_wait3A_224 = tpu.memref_squeeze %dma_wait3A_223 : memref<1x128xi32, #tpu.memory_space<vmem>> -> memref<128xi32, #tpu.memory_space<vmem>>
      %dma_wait3A_225 = arith.constant 0 : i32
      %dma_wait3A_226 = arith.constant 0 : i32
      %dma_wait3A_227 = tpu.memref_slice %arg2[%dma_wait3A_225, %dma_wait3A_226] : memref<3211264x8xf32, #tpu.memory_space<hbm>> -> memref<3211264x8xf32, #tpu.memory_space<hbm>>
      tpu.wait_indirect_dma semaphore(%arg7 : memref<!tpu.dma_semaphore, #tpu.memory_space<semaphore_mem>>) src(%dma_wait3A_227 : memref<3211264x8xf32, #tpu.memory_space<hbm>>) dst(%dma_wait3A_221 : memref<128x8xf32, #tpu.memory_space<vmem>>)
      %dma_wait3A_228 = arith.constant 2 : i32
      %dma_wait3A_229 = arith.constant 2 : i32
      %dma_wait3A_230 = arith.constant 0 : i32
      %dma_wait3A_231 = arith.constant 0 : i32
      %dma_wait3A_232 = tpu.memref_slice %arg6[%dma_wait3A_229, %dma_wait3A_230, %dma_wait3A_231] : memref<16x128x8xf32, #tpu.memory_space<vmem>> -> memref<1x128x8xf32, #tpu.memory_space<vmem>>
      %dma_wait3A_233 = tpu.memref_squeeze %dma_wait3A_232 : memref<1x128x8xf32, #tpu.memory_space<vmem>> -> memref<128x8xf32, #tpu.memory_space<vmem>>
      %dma_wait3A_234 = arith.constant 0 : i32
      %dma_wait3A_235 = tpu.memref_slice %arg5[%dma_wait3A_228, %dma_wait3A_234] : memref<16x128xi32, #tpu.memory_space<vmem>> -> memref<1x128xi32, #tpu.memory_space<vmem>>
      %dma_wait3A_236 = tpu.memref_squeeze %dma_wait3A_235 : memref<1x128xi32, #tpu.memory_space<vmem>> -> memref<128xi32, #tpu.memory_space<vmem>>
      %dma_wait3A_237 = arith.constant 0 : i32
      %dma_wait3A_238 = arith.constant 0 : i32
      %dma_wait3A_239 = tpu.memref_slice %arg2[%dma_wait3A_237, %dma_wait3A_238] : memref<3211264x8xf32, #tpu.memory_space<hbm>> -> memref<3211264x8xf32, #tpu.memory_space<hbm>>
      tpu.wait_indirect_dma semaphore(%arg7 : memref<!tpu.dma_semaphore, #tpu.memory_space<semaphore_mem>>) src(%dma_wait3A_239 : memref<3211264x8xf32, #tpu.memory_space<hbm>>) dst(%dma_wait3A_233 : memref<128x8xf32, #tpu.memory_space<vmem>>)
      %dma_wait3A_240 = arith.constant 3 : i32
      %dma_wait3A_241 = arith.constant 3 : i32
      %dma_wait3A_242 = arith.constant 0 : i32
      %dma_wait3A_243 = arith.constant 0 : i32
      %dma_wait3A_244 = tpu.memref_slice %arg6[%dma_wait3A_241, %dma_wait3A_242, %dma_wait3A_243] : memref<16x128x8xf32, #tpu.memory_space<vmem>> -> memref<1x128x8xf32, #tpu.memory_space<vmem>>
      %dma_wait3A_245 = tpu.memref_squeeze %dma_wait3A_244 : memref<1x128x8xf32, #tpu.memory_space<vmem>> -> memref<128x8xf32, #tpu.memory_space<vmem>>
      %dma_wait3A_246 = arith.constant 0 : i32
      %dma_wait3A_247 = tpu.memref_slice %arg5[%dma_wait3A_240, %dma_wait3A_246] : memref<16x128xi32, #tpu.memory_space<vmem>> -> memref<1x128xi32, #tpu.memory_space<vmem>>
      %dma_wait3A_248 = tpu.memref_squeeze %dma_wait3A_247 : memref<1x128xi32, #tpu.memory_space<vmem>> -> memref<128xi32, #tpu.memory_space<vmem>>
      %dma_wait3A_249 = arith.constant 0 : i32
      %dma_wait3A_250 = arith.constant 0 : i32
      %dma_wait3A_251 = tpu.memref_slice %arg2[%dma_wait3A_249, %dma_wait3A_250] : memref<3211264x8xf32, #tpu.memory_space<hbm>> -> memref<3211264x8xf32, #tpu.memory_space<hbm>>
      tpu.wait_indirect_dma semaphore(%arg7 : memref<!tpu.dma_semaphore, #tpu.memory_space<semaphore_mem>>) src(%dma_wait3A_251 : memref<3211264x8xf32, #tpu.memory_space<hbm>>) dst(%dma_wait3A_245 : memref<128x8xf32, #tpu.memory_space<vmem>>)
      %dma_wait3A_252 = arith.constant 4 : i32
      %dma_wait3A_253 = arith.constant 4 : i32
      %dma_wait3A_254 = arith.constant 0 : i32
      %dma_wait3A_255 = arith.constant 0 : i32
      %dma_wait3A_256 = tpu.memref_slice %arg6[%dma_wait3A_253, %dma_wait3A_254, %dma_wait3A_255] : memref<16x128x8xf32, #tpu.memory_space<vmem>> -> memref<1x128x8xf32, #tpu.memory_space<vmem>>
      %dma_wait3A_257 = tpu.memref_squeeze %dma_wait3A_256 : memref<1x128x8xf32, #tpu.memory_space<vmem>> -> memref<128x8xf32, #tpu.memory_space<vmem>>
      %dma_wait3A_258 = arith.constant 0 : i32
      %dma_wait3A_259 = tpu.memref_slice %arg5[%dma_wait3A_252, %dma_wait3A_258] : memref<16x128xi32, #tpu.memory_space<vmem>> -> memref<1x128xi32, #tpu.memory_space<vmem>>
      %dma_wait3A_260 = tpu.memref_squeeze %dma_wait3A_259 : memref<1x128xi32, #tpu.memory_space<vmem>> -> memref<128xi32, #tpu.memory_space<vmem>>
      %dma_wait3A_261 = arith.constant 0 : i32
      %dma_wait3A_262 = arith.constant 0 : i32
      %dma_wait3A_263 = tpu.memref_slice %arg2[%dma_wait3A_261, %dma_wait3A_262] : memref<3211264x8xf32, #tpu.memory_space<hbm>> -> memref<3211264x8xf32, #tpu.memory_space<hbm>>
      tpu.wait_indirect_dma semaphore(%arg7 : memref<!tpu.dma_semaphore, #tpu.memory_space<semaphore_mem>>) src(%dma_wait3A_263 : memref<3211264x8xf32, #tpu.memory_space<hbm>>) dst(%dma_wait3A_257 : memref<128x8xf32, #tpu.memory_space<vmem>>)
      %dma_wait3A_264 = arith.constant 5 : i32
      %dma_wait3A_265 = arith.constant 5 : i32
      %dma_wait3A_266 = arith.constant 0 : i32
      %dma_wait3A_267 = arith.constant 0 : i32
      %dma_wait3A_268 = tpu.memref_slice %arg6[%dma_wait3A_265, %dma_wait3A_266, %dma_wait3A_267] : memref<16x128x8xf32, #tpu.memory_space<vmem>> -> memref<1x128x8xf32, #tpu.memory_space<vmem>>
      %dma_wait3A_269 = tpu.memref_squeeze %dma_wait3A_268 : memref<1x128x8xf32, #tpu.memory_space<vmem>> -> memref<128x8xf32, #tpu.memory_space<vmem>>
      %dma_wait3A_270 = arith.constant 0 : i32
      %dma_wait3A_271 = tpu.memref_slice %arg5[%dma_wait3A_264, %dma_wait3A_270] : memref<16x128xi32, #tpu.memory_space<vmem>> -> memref<1x128xi32, #tpu.memory_space<vmem>>
      %dma_wait3A_272 = tpu.memref_squeeze %dma_wait3A_271 : memref<1x128xi32, #tpu.memory_space<vmem>> -> memref<128xi32, #tpu.memory_space<vmem>>
      %dma_wait3A_273 = arith.constant 0 : i32
      %dma_wait3A_274 = arith.constant 0 : i32
      %dma_wait3A_275 = tpu.memref_slice %arg2[%dma_wait3A_273, %dma_wait3A_274] : memref<3211264x8xf32, #tpu.memory_space<hbm>> -> memref<3211264x8xf32, #tpu.memory_space<hbm>>
      tpu.wait_indirect_dma semaphore(%arg7 : memref<!tpu.dma_semaphore, #tpu.memory_space<semaphore_mem>>) src(%dma_wait3A_275 : memref<3211264x8xf32, #tpu.memory_space<hbm>>) dst(%dma_wait3A_269 : memref<128x8xf32, #tpu.memory_space<vmem>>)
      %dma_wait3A_276 = arith.constant 6 : i32
      %dma_wait3A_277 = arith.constant 6 : i32
      %dma_wait3A_278 = arith.constant 0 : i32
      %dma_wait3A_279 = arith.constant 0 : i32
      %dma_wait3A_280 = tpu.memref_slice %arg6[%dma_wait3A_277, %dma_wait3A_278, %dma_wait3A_279] : memref<16x128x8xf32, #tpu.memory_space<vmem>> -> memref<1x128x8xf32, #tpu.memory_space<vmem>>
      %dma_wait3A_281 = tpu.memref_squeeze %dma_wait3A_280 : memref<1x128x8xf32, #tpu.memory_space<vmem>> -> memref<128x8xf32, #tpu.memory_space<vmem>>
      %dma_wait3A_282 = arith.constant 0 : i32
      %dma_wait3A_283 = tpu.memref_slice %arg5[%dma_wait3A_276, %dma_wait3A_282] : memref<16x128xi32, #tpu.memory_space<vmem>> -> memref<1x128xi32, #tpu.memory_space<vmem>>
      %dma_wait3A_284 = tpu.memref_squeeze %dma_wait3A_283 : memref<1x128xi32, #tpu.memory_space<vmem>> -> memref<128xi32, #tpu.memory_space<vmem>>
      %dma_wait3A_285 = arith.constant 0 : i32
      %dma_wait3A_286 = arith.constant 0 : i32
      %dma_wait3A_287 = tpu.memref_slice %arg2[%dma_wait3A_285, %dma_wait3A_286] : memref<3211264x8xf32, #tpu.memory_space<hbm>> -> memref<3211264x8xf32, #tpu.memory_space<hbm>>
      tpu.wait_indirect_dma semaphore(%arg7 : memref<!tpu.dma_semaphore, #tpu.memory_space<semaphore_mem>>) src(%dma_wait3A_287 : memref<3211264x8xf32, #tpu.memory_space<hbm>>) dst(%dma_wait3A_281 : memref<128x8xf32, #tpu.memory_space<vmem>>)
      %dma_wait3A_288 = arith.constant 7 : i32
      %dma_wait3A_289 = arith.constant 7 : i32
      %dma_wait3A_290 = arith.constant 0 : i32
      %dma_wait3A_291 = arith.constant 0 : i32
      %dma_wait3A_292 = tpu.memref_slice %arg6[%dma_wait3A_289, %dma_wait3A_290, %dma_wait3A_291] : memref<16x128x8xf32, #tpu.memory_space<vmem>> -> memref<1x128x8xf32, #tpu.memory_space<vmem>>
      %dma_wait3A_293 = tpu.memref_squeeze %dma_wait3A_292 : memref<1x128x8xf32, #tpu.memory_space<vmem>> -> memref<128x8xf32, #tpu.memory_space<vmem>>
      %dma_wait3A_294 = arith.constant 0 : i32
      %dma_wait3A_295 = tpu.memref_slice %arg5[%dma_wait3A_288, %dma_wait3A_294] : memref<16x128xi32, #tpu.memory_space<vmem>> -> memref<1x128xi32, #tpu.memory_space<vmem>>
      %dma_wait3A_296 = tpu.memref_squeeze %dma_wait3A_295 : memref<1x128xi32, #tpu.memory_space<vmem>> -> memref<128xi32, #tpu.memory_space<vmem>>
      %dma_wait3A_297 = arith.constant 0 : i32
      %dma_wait3A_298 = arith.constant 0 : i32
      %dma_wait3A_299 = tpu.memref_slice %arg2[%dma_wait3A_297, %dma_wait3A_298] : memref<3211264x8xf32, #tpu.memory_space<hbm>> -> memref<3211264x8xf32, #tpu.memory_space<hbm>>
      tpu.wait_indirect_dma semaphore(%arg7 : memref<!tpu.dma_semaphore, #tpu.memory_space<semaphore_mem>>) src(%dma_wait3A_299 : memref<3211264x8xf32, #tpu.memory_space<hbm>>) dst(%dma_wait3A_293 : memref<128x8xf32, #tpu.memory_space<vmem>>)
      %dma_wait3A_300 = arith.constant 8 : i32
      %dma_wait3A_301 = arith.constant 8 : i32
      %dma_wait3A_302 = arith.constant 0 : i32
      %dma_wait3A_303 = arith.constant 0 : i32
      %dma_wait3A_304 = tpu.memref_slice %arg6[%dma_wait3A_301, %dma_wait3A_302, %dma_wait3A_303] : memref<16x128x8xf32, #tpu.memory_space<vmem>> -> memref<1x128x8xf32, #tpu.memory_space<vmem>>
      %dma_wait3A_305 = tpu.memref_squeeze %dma_wait3A_304 : memref<1x128x8xf32, #tpu.memory_space<vmem>> -> memref<128x8xf32, #tpu.memory_space<vmem>>
      %dma_wait3A_306 = arith.constant 0 : i32
      %dma_wait3A_307 = tpu.memref_slice %arg5[%dma_wait3A_300, %dma_wait3A_306] : memref<16x128xi32, #tpu.memory_space<vmem>> -> memref<1x128xi32, #tpu.memory_space<vmem>>
      %dma_wait3A_308 = tpu.memref_squeeze %dma_wait3A_307 : memref<1x128xi32, #tpu.memory_space<vmem>> -> memref<128xi32, #tpu.memory_space<vmem>>
      %dma_wait3A_309 = arith.constant 0 : i32
      %dma_wait3A_310 = arith.constant 0 : i32
      %dma_wait3A_311 = tpu.memref_slice %arg2[%dma_wait3A_309, %dma_wait3A_310] : memref<3211264x8xf32, #tpu.memory_space<hbm>> -> memref<3211264x8xf32, #tpu.memory_space<hbm>>
      tpu.wait_indirect_dma semaphore(%arg7 : memref<!tpu.dma_semaphore, #tpu.memory_space<semaphore_mem>>) src(%dma_wait3A_311 : memref<3211264x8xf32, #tpu.memory_space<hbm>>) dst(%dma_wait3A_305 : memref<128x8xf32, #tpu.memory_space<vmem>>)
      %dma_wait3A_312 = arith.constant 9 : i32
      %dma_wait3A_313 = arith.constant 9 : i32
      %dma_wait3A_314 = arith.constant 0 : i32
      %dma_wait3A_315 = arith.constant 0 : i32
      %dma_wait3A_316 = tpu.memref_slice %arg6[%dma_wait3A_313, %dma_wait3A_314, %dma_wait3A_315] : memref<16x128x8xf32, #tpu.memory_space<vmem>> -> memref<1x128x8xf32, #tpu.memory_space<vmem>>
      %dma_wait3A_317 = tpu.memref_squeeze %dma_wait3A_316 : memref<1x128x8xf32, #tpu.memory_space<vmem>> -> memref<128x8xf32, #tpu.memory_space<vmem>>
      %dma_wait3A_318 = arith.constant 0 : i32
      %dma_wait3A_319 = tpu.memref_slice %arg5[%dma_wait3A_312, %dma_wait3A_318] : memref<16x128xi32, #tpu.memory_space<vmem>> -> memref<1x128xi32, #tpu.memory_space<vmem>>
      %dma_wait3A_320 = tpu.memref_squeeze %dma_wait3A_319 : memref<1x128xi32, #tpu.memory_space<vmem>> -> memref<128xi32, #tpu.memory_space<vmem>>
      %dma_wait3A_321 = arith.constant 0 : i32
      %dma_wait3A_322 = arith.constant 0 : i32
      %dma_wait3A_323 = tpu.memref_slice %arg2[%dma_wait3A_321, %dma_wait3A_322] : memref<3211264x8xf32, #tpu.memory_space<hbm>> -> memref<3211264x8xf32, #tpu.memory_space<hbm>>
      tpu.wait_indirect_dma semaphore(%arg7 : memref<!tpu.dma_semaphore, #tpu.memory_space<semaphore_mem>>) src(%dma_wait3A_323 : memref<3211264x8xf32, #tpu.memory_space<hbm>>) dst(%dma_wait3A_317 : memref<128x8xf32, #tpu.memory_space<vmem>>)
      %dma_wait3A_324 = arith.constant 10 : i32
      %dma_wait3A_325 = arith.constant 10 : i32
      %dma_wait3A_326 = arith.constant 0 : i32
      %dma_wait3A_327 = arith.constant 0 : i32
      %dma_wait3A_328 = tpu.memref_slice %arg6[%dma_wait3A_325, %dma_wait3A_326, %dma_wait3A_327] : memref<16x128x8xf32, #tpu.memory_space<vmem>> -> memref<1x128x8xf32, #tpu.memory_space<vmem>>
      %dma_wait3A_329 = tpu.memref_squeeze %dma_wait3A_328 : memref<1x128x8xf32, #tpu.memory_space<vmem>> -> memref<128x8xf32, #tpu.memory_space<vmem>>
      %dma_wait3A_330 = arith.constant 0 : i32
      %dma_wait3A_331 = tpu.memref_slice %arg5[%dma_wait3A_324, %dma_wait3A_330] : memref<16x128xi32, #tpu.memory_space<vmem>> -> memref<1x128xi32, #tpu.memory_space<vmem>>
      %dma_wait3A_332 = tpu.memref_squeeze %dma_wait3A_331 : memref<1x128xi32, #tpu.memory_space<vmem>> -> memref<128xi32, #tpu.memory_space<vmem>>
      %dma_wait3A_333 = arith.constant 0 : i32
      %dma_wait3A_334 = arith.constant 0 : i32
      %dma_wait3A_335 = tpu.memref_slice %arg2[%dma_wait3A_333, %dma_wait3A_334] : memref<3211264x8xf32, #tpu.memory_space<hbm>> -> memref<3211264x8xf32, #tpu.memory_space<hbm>>
      tpu.wait_indirect_dma semaphore(%arg7 : memref<!tpu.dma_semaphore, #tpu.memory_space<semaphore_mem>>) src(%dma_wait3A_335 : memref<3211264x8xf32, #tpu.memory_space<hbm>>) dst(%dma_wait3A_329 : memref<128x8xf32, #tpu.memory_space<vmem>>)
      %dma_wait3A_336 = arith.constant 11 : i32
      %dma_wait3A_337 = arith.constant 11 : i32
      %dma_wait3A_338 = arith.constant 0 : i32
      %dma_wait3A_339 = arith.constant 0 : i32
      %dma_wait3A_340 = tpu.memref_slice %arg6[%dma_wait3A_337, %dma_wait3A_338, %dma_wait3A_339] : memref<16x128x8xf32, #tpu.memory_space<vmem>> -> memref<1x128x8xf32, #tpu.memory_space<vmem>>
      %dma_wait3A_341 = tpu.memref_squeeze %dma_wait3A_340 : memref<1x128x8xf32, #tpu.memory_space<vmem>> -> memref<128x8xf32, #tpu.memory_space<vmem>>
      %dma_wait3A_342 = arith.constant 0 : i32
      %dma_wait3A_343 = tpu.memref_slice %arg5[%dma_wait3A_336, %dma_wait3A_342] : memref<16x128xi32, #tpu.memory_space<vmem>> -> memref<1x128xi32, #tpu.memory_space<vmem>>
      %dma_wait3A_344 = tpu.memref_squeeze %dma_wait3A_343 : memref<1x128xi32, #tpu.memory_space<vmem>> -> memref<128xi32, #tpu.memory_space<vmem>>
      %dma_wait3A_345 = arith.constant 0 : i32
      %dma_wait3A_346 = arith.constant 0 : i32
      %dma_wait3A_347 = tpu.memref_slice %arg2[%dma_wait3A_345, %dma_wait3A_346] : memref<3211264x8xf32, #tpu.memory_space<hbm>> -> memref<3211264x8xf32, #tpu.memory_space<hbm>>
      tpu.wait_indirect_dma semaphore(%arg7 : memref<!tpu.dma_semaphore, #tpu.memory_space<semaphore_mem>>) src(%dma_wait3A_347 : memref<3211264x8xf32, #tpu.memory_space<hbm>>) dst(%dma_wait3A_341 : memref<128x8xf32, #tpu.memory_space<vmem>>)
      %dma_wait3A_348 = arith.constant 12 : i32
      %dma_wait3A_349 = arith.constant 12 : i32
      %dma_wait3A_350 = arith.constant 0 : i32
      %dma_wait3A_351 = arith.constant 0 : i32
      %dma_wait3A_352 = tpu.memref_slice %arg6[%dma_wait3A_349, %dma_wait3A_350, %dma_wait3A_351] : memref<16x128x8xf32, #tpu.memory_space<vmem>> -> memref<1x128x8xf32, #tpu.memory_space<vmem>>
      %dma_wait3A_353 = tpu.memref_squeeze %dma_wait3A_352 : memref<1x128x8xf32, #tpu.memory_space<vmem>> -> memref<128x8xf32, #tpu.memory_space<vmem>>
      %dma_wait3A_354 = arith.constant 0 : i32
      %dma_wait3A_355 = tpu.memref_slice %arg5[%dma_wait3A_348, %dma_wait3A_354] : memref<16x128xi32, #tpu.memory_space<vmem>> -> memref<1x128xi32, #tpu.memory_space<vmem>>
      %dma_wait3A_356 = tpu.memref_squeeze %dma_wait3A_355 : memref<1x128xi32, #tpu.memory_space<vmem>> -> memref<128xi32, #tpu.memory_space<vmem>>
      %dma_wait3A_357 = arith.constant 0 : i32
      %dma_wait3A_358 = arith.constant 0 : i32
      %dma_wait3A_359 = tpu.memref_slice %arg2[%dma_wait3A_357, %dma_wait3A_358] : memref<3211264x8xf32, #tpu.memory_space<hbm>> -> memref<3211264x8xf32, #tpu.memory_space<hbm>>
      tpu.wait_indirect_dma semaphore(%arg7 : memref<!tpu.dma_semaphore, #tpu.memory_space<semaphore_mem>>) src(%dma_wait3A_359 : memref<3211264x8xf32, #tpu.memory_space<hbm>>) dst(%dma_wait3A_353 : memref<128x8xf32, #tpu.memory_space<vmem>>)
      %dma_wait3A_360 = arith.constant 13 : i32
      %dma_wait3A_361 = arith.constant 13 : i32
      %dma_wait3A_362 = arith.constant 0 : i32
      %dma_wait3A_363 = arith.constant 0 : i32
      %dma_wait3A_364 = tpu.memref_slice %arg6[%dma_wait3A_361, %dma_wait3A_362, %dma_wait3A_363] : memref<16x128x8xf32, #tpu.memory_space<vmem>> -> memref<1x128x8xf32, #tpu.memory_space<vmem>>
      %dma_wait3A_365 = tpu.memref_squeeze %dma_wait3A_364 : memref<1x128x8xf32, #tpu.memory_space<vmem>> -> memref<128x8xf32, #tpu.memory_space<vmem>>
      %dma_wait3A_366 = arith.constant 0 : i32
      %dma_wait3A_367 = tpu.memref_slice %arg5[%dma_wait3A_360, %dma_wait3A_366] : memref<16x128xi32, #tpu.memory_space<vmem>> -> memref<1x128xi32, #tpu.memory_space<vmem>>
      %dma_wait3A_368 = tpu.memref_squeeze %dma_wait3A_367 : memref<1x128xi32, #tpu.memory_space<vmem>> -> memref<128xi32, #tpu.memory_space<vmem>>
      %dma_wait3A_369 = arith.constant 0 : i32
      %dma_wait3A_370 = arith.constant 0 : i32
      %dma_wait3A_371 = tpu.memref_slice %arg2[%dma_wait3A_369, %dma_wait3A_370] : memref<3211264x8xf32, #tpu.memory_space<hbm>> -> memref<3211264x8xf32, #tpu.memory_space<hbm>>
      tpu.wait_indirect_dma semaphore(%arg7 : memref<!tpu.dma_semaphore, #tpu.memory_space<semaphore_mem>>) src(%dma_wait3A_371 : memref<3211264x8xf32, #tpu.memory_space<hbm>>) dst(%dma_wait3A_365 : memref<128x8xf32, #tpu.memory_space<vmem>>)
      %dma_wait3A_372 = arith.constant 14 : i32
      %dma_wait3A_373 = arith.constant 14 : i32
      %dma_wait3A_374 = arith.constant 0 : i32
      %dma_wait3A_375 = arith.constant 0 : i32
      %dma_wait3A_376 = tpu.memref_slice %arg6[%dma_wait3A_373, %dma_wait3A_374, %dma_wait3A_375] : memref<16x128x8xf32, #tpu.memory_space<vmem>> -> memref<1x128x8xf32, #tpu.memory_space<vmem>>
      %dma_wait3A_377 = tpu.memref_squeeze %dma_wait3A_376 : memref<1x128x8xf32, #tpu.memory_space<vmem>> -> memref<128x8xf32, #tpu.memory_space<vmem>>
      %dma_wait3A_378 = arith.constant 0 : i32
      %dma_wait3A_379 = tpu.memref_slice %arg5[%dma_wait3A_372, %dma_wait3A_378] : memref<16x128xi32, #tpu.memory_space<vmem>> -> memref<1x128xi32, #tpu.memory_space<vmem>>
      %dma_wait3A_380 = tpu.memref_squeeze %dma_wait3A_379 : memref<1x128xi32, #tpu.memory_space<vmem>> -> memref<128xi32, #tpu.memory_space<vmem>>
      %dma_wait3A_381 = arith.constant 0 : i32
      %dma_wait3A_382 = arith.constant 0 : i32
      %dma_wait3A_383 = tpu.memref_slice %arg2[%dma_wait3A_381, %dma_wait3A_382] : memref<3211264x8xf32, #tpu.memory_space<hbm>> -> memref<3211264x8xf32, #tpu.memory_space<hbm>>
      tpu.wait_indirect_dma semaphore(%arg7 : memref<!tpu.dma_semaphore, #tpu.memory_space<semaphore_mem>>) src(%dma_wait3A_383 : memref<3211264x8xf32, #tpu.memory_space<hbm>>) dst(%dma_wait3A_377 : memref<128x8xf32, #tpu.memory_space<vmem>>)
      %dma_wait3A_384 = arith.constant 15 : i32
      %dma_wait3A_385 = arith.constant 15 : i32
      %dma_wait3A_386 = arith.constant 0 : i32
      %dma_wait3A_387 = arith.constant 0 : i32
      %dma_wait3A_388 = tpu.memref_slice %arg6[%dma_wait3A_385, %dma_wait3A_386, %dma_wait3A_387] : memref<16x128x8xf32, #tpu.memory_space<vmem>> -> memref<1x128x8xf32, #tpu.memory_space<vmem>>
      %dma_wait3A_389 = tpu.memref_squeeze %dma_wait3A_388 : memref<1x128x8xf32, #tpu.memory_space<vmem>> -> memref<128x8xf32, #tpu.memory_space<vmem>>
      %dma_wait3A_390 = arith.constant 0 : i32
      %dma_wait3A_391 = tpu.memref_slice %arg5[%dma_wait3A_384, %dma_wait3A_390] : memref<16x128xi32, #tpu.memory_space<vmem>> -> memref<1x128xi32, #tpu.memory_space<vmem>>
      %dma_wait3A_392 = tpu.memref_squeeze %dma_wait3A_391 : memref<1x128xi32, #tpu.memory_space<vmem>> -> memref<128xi32, #tpu.memory_space<vmem>>
      %dma_wait3A_393 = arith.constant 0 : i32
      %dma_wait3A_394 = arith.constant 0 : i32
      %dma_wait3A_395 = tpu.memref_slice %arg2[%dma_wait3A_393, %dma_wait3A_394] : memref<3211264x8xf32, #tpu.memory_space<hbm>> -> memref<3211264x8xf32, #tpu.memory_space<hbm>>
      tpu.wait_indirect_dma semaphore(%arg7 : memref<!tpu.dma_semaphore, #tpu.memory_space<semaphore_mem>>) src(%dma_wait3A_395 : memref<3211264x8xf32, #tpu.memory_space<hbm>>) dst(%dma_wait3A_389 : memref<128x8xf32, #tpu.memory_space<vmem>>)
      "tpu.region"() ({
        %run_scoped3A = tpu.sem_alloc : memref<!tpu.dma_semaphore, #tpu.memory_space<semaphore_mem>>
        %dma_start3A_397 = arith.constant 0 : i32
        %dma_start3A_398 = arith.constant 0 : i32
        %dma_start3A_399 = tpu.memref_slice %arg4[%add3A_13, %dma_start3A_397, %dma_start3A_398] : memref<25088x128x8xf32, #tpu.memory_space<hbm>> -> memref<16x128x8xf32, #tpu.memory_space<hbm>>
        %dma_start3A_400 = arith.constant 0 : i32
        %dma_start3A_401 = arith.constant 0 : i32
        %dma_start3A_402 = tpu.memref_slice %arg4[%add3A_13, %dma_start3A_400, %dma_start3A_401] : memref<25088x128x8xf32, #tpu.memory_space<hbm>> -> memref<16x128x8xf32, #tpu.memory_space<hbm>>
        tpu.enqueue_dma source(%arg6 : memref<16x128x8xf32, #tpu.memory_space<vmem>>) target(%dma_start3A_402 : memref<16x128x8xf32, #tpu.memory_space<hbm>>) target_semaphore(%run_scoped3A : memref<!tpu.dma_semaphore, #tpu.memory_space<semaphore_mem>>)
        %dma_wait3A_403 = arith.constant 0 : i32
        %dma_wait3A_404 = arith.constant 0 : i32
        %dma_wait3A_405 = tpu.memref_slice %arg4[%add3A_13, %dma_wait3A_403, %dma_wait3A_404] : memref<25088x128x8xf32, #tpu.memory_space<hbm>> -> memref<16x128x8xf32, #tpu.memory_space<hbm>>
        %dma_wait3A_406 = arith.constant 0 : i32
        %dma_wait3A_407 = arith.constant 0 : i32
        %dma_wait3A_408 = tpu.memref_slice %arg4[%add3A_13, %dma_wait3A_406, %dma_wait3A_407] : memref<25088x128x8xf32, #tpu.memory_space<hbm>> -> memref<16x128x8xf32, #tpu.memory_space<hbm>>
        tpu.wait_dma2 semaphore(%run_scoped3A : memref<!tpu.dma_semaphore, #tpu.memory_space<semaphore_mem>>) src(%arg6 : memref<16x128x8xf32, #tpu.memory_space<vmem>>) dst(%dma_wait3A_408 : memref<16x128x8xf32, #tpu.memory_space<hbm>>)
        tpu.yield
      }) : () -> ()
      %scan3A_396 = arith.constant 0 : i32
      scf.yield %scan3A_396 : i32
    }
    %scan3A_8 = arith.constant 49 : i32
    return
  }
}

module attributes {stable_mosaic.version = 14 : i64} {
  func.func @_tc_body(%arg0: i32, %arg1: memref<1x224x1792xf32, #tpu.memory_space<vmem>>, %arg2: memref<1x224x224xf32, #tpu.memory_space<vmem>>, %arg3: memref<1x224x224xf32, #tpu.memory_space<vmem>>, %arg4: memref<1x224x1792xf32, #tpu.memory_space<vmem>>, %arg5: memref<1x224x224xi32, #tpu.memory_space<vmem>>) attributes {dimension_semantics = [#tpu.dimension_semantics<arbitrary>], iteration_bounds = array<i64: 64>, scalar_prefetch = 0 : i64, scratch_operands = 0 : i64, tpu.core_type = #tpu.core_type<tc>, window_params = [{transform_indices = @transform_0, window_bounds = array<i64: 1, 224, 1792>}, {transform_indices = @transform_1, window_bounds = array<i64: 1, 224, 224>}, {transform_indices = @transform_2, window_bounds = array<i64: 1, 224, 224>}, {transform_indices = @transform_3, window_bounds = array<i64: 1, 224, 1792>}, {transform_indices = @transform_4, window_bounds = array<i64: 1, 224, 224>}]} {
    %get3A = arith.constant 0 : index
    %get3A_0 = arith.constant 0 : index
    %get3A_1 = arith.constant 0 : index
    %get3A_2 = vector.load %arg1[%get3A, %get3A_0, %get3A_1] : memref<1x224x1792xf32, #tpu.memory_space<vmem>>, vector<1x224x1792xf32>
    %get3A_3 = vector.shape_cast %get3A_2 : vector<1x224x1792xf32> to vector<224x1792xf32>
    %slice3A = vector.extract_strided_slice %get3A_3 {offsets = [0, 0], sizes = [222, 1792], strides = [1, 1]} : vector<224x1792xf32> to vector<222x1792xf32>
    %slice3A_4 = vector.extract_strided_slice %get3A_3 {offsets = [2, 0], sizes = [222, 1792], strides = [1, 1]} : vector<224x1792xf32> to vector<222x1792xf32>
    %add3A = arith.addf %slice3A, %slice3A_4 : vector<222x1792xf32>
    %slice3A_5 = vector.extract_strided_slice %add3A {offsets = [0, 0], sizes = [222, 1776], strides = [1, 1]} : vector<222x1792xf32> to vector<222x1776xf32>
    %slice3A_6 = vector.extract_strided_slice %add3A {offsets = [0, 16], sizes = [222, 1776], strides = [1, 1]} : vector<222x1792xf32> to vector<222x1776xf32>
    %add3A_7 = arith.addf %slice3A_5, %slice3A_6 : vector<222x1776xf32>
    %mul3A = arith.constant 2.500000e-01 : f32
    %mul3A_8 = vector.broadcast %mul3A : f32 to vector<222x1776xf32>
    %mul3A_9 = arith.mulf %add3A_7, %mul3A_8 : vector<222x1776xf32>
    %jit3A = arith.constant 0 : i32
    %convert_element_type3A = arith.sitofp %jit3A : i32 to f32
    %pad3A = vector.broadcast %convert_element_type3A : f32 to vector<1x1776xf32>
    %pad3A_10 = tpu.concatenate %pad3A, %mul3A_9 in 0 : vector<1x1776xf32>, vector<222x1776xf32> -> vector<223x1776xf32>
    %pad3A_11 = vector.broadcast %convert_element_type3A : f32 to vector<1x1776xf32>
    %pad3A_12 = tpu.concatenate %pad3A_10, %pad3A_11 in 0 : vector<223x1776xf32>, vector<1x1776xf32> -> vector<224x1776xf32>
    %pad3A_13 = vector.broadcast %convert_element_type3A : f32 to vector<224x8xf32>
    %pad3A_14 = tpu.concatenate %pad3A_13, %pad3A_12 in 1 : vector<224x8xf32>, vector<224x1776xf32> -> vector<224x1784xf32>
    %pad3A_15 = vector.broadcast %convert_element_type3A : f32 to vector<224x8xf32>
    %pad3A_16 = tpu.concatenate %pad3A_14, %pad3A_15 in 1 : vector<224x1784xf32>, vector<224x8xf32> -> vector<224x1792xf32>
    %swap3A = arith.constant 0 : index
    %swap3A_17 = arith.constant 0 : index
    %swap3A_18 = arith.constant 0 : index
    %swap3A_19 = vector.load %arg4[%swap3A, %swap3A_17, %swap3A_18] : memref<1x224x1792xf32, #tpu.memory_space<vmem>>, vector<1x224x1792xf32>
    %swap3A_20 = vector.shape_cast %swap3A_19 : vector<1x224x1792xf32> to vector<224x1792xf32>
    %swap3A_21 = vector.shape_cast %pad3A_16 : vector<224x1792xf32> to vector<1x224x1792xf32>
    tpu.vector_store %arg4[%swap3A, %swap3A_17, %swap3A_18], %swap3A_21 {strides = array<i32>} : memref<1x224x1792xf32, #tpu.memory_space<vmem>>, vector<1x224x1792xf32>,
    %get3A_22 = arith.constant 0 : index
    %get3A_23 = arith.constant 0 : index
    %get3A_24 = arith.constant 0 : index
    %get3A_25 = vector.load %arg2[%get3A_22, %get3A_23, %get3A_24] : memref<1x224x224xf32, #tpu.memory_space<vmem>>, vector<1x224x224xf32>
    %get3A_26 = vector.shape_cast %get3A_25 : vector<1x224x224xf32> to vector<224x224xf32>
    %get3A_27 = arith.constant 0 : index
    %get3A_28 = arith.constant 0 : index
    %get3A_29 = arith.constant 0 : index
    %get3A_30 = vector.load %arg3[%get3A_27, %get3A_28, %get3A_29] : memref<1x224x224xf32, #tpu.memory_space<vmem>>, vector<1x224x224xf32>
    %get3A_31 = vector.shape_cast %get3A_30 : vector<1x224x224xf32> to vector<224x224xf32>
    %iota3A = tpu.iota {dimensions = array<i32: 1>} : vector<224x224xi32>
    %convert_element_type3A_32 = arith.sitofp %iota3A : vector<224x224xi32> to vector<224x224xf32>
    %iota3A_33 = tpu.iota {dimensions = array<i32: 0>} : vector<224x224xi32>
    %convert_element_type3A_34 = arith.sitofp %iota3A_33 : vector<224x224xi32> to vector<224x224xf32>
    %add3A_35 = arith.addf %convert_element_type3A_32, %get3A_26 : vector<224x224xf32>
    %jit3A_36 = arith.constant 2.240000e+02 : f32
    %rem3A = vector.broadcast %jit3A_36 : f32 to vector<224x224xf32>
    %rem3A_37 = arith.remf %add3A_35, %rem3A : vector<224x224xf32>
    %ne3A = arith.constant 0.000000e+00 : f32
    %ne3A_38 = vector.broadcast %ne3A : f32 to vector<224x224xf32>
    %ne3A_39 = arith.cmpf one, %rem3A_37, %ne3A_38 : vector<224x224xf32>
    %lt3A = arith.constant 0.000000e+00 : f32
    %lt3A_40 = vector.broadcast %lt3A : f32 to vector<224x224xf32>
    %lt3A_41 = arith.cmpf olt, %rem3A_37, %lt3A_40 : vector<224x224xf32>
    %lt3A_42 = arith.constant 0.000000e+00 : f32
    %lt3A_43 = arith.cmpf olt, %jit3A_36, %lt3A_42 : f32
    %ne3A_44 = vector.broadcast %lt3A_43 : i1 to vector<224x224xi1>
    %ne3A_45 = vector.broadcast %ne3A_44 : vector<224x224xi1> to vector<224x224xi1>
    %ne3A_46 = arith.xori %lt3A_41, %ne3A_45 : vector<224x224xi1>
    %and3A = arith.andi %ne3A_46, %ne3A_39 : vector<224x224xi1>
    %add3A_47 = vector.broadcast %jit3A_36 : f32 to vector<224x224xf32>
    %add3A_48 = arith.addf %rem3A_37, %add3A_47 : vector<224x224xf32>
    %select_n3A = arith.select %and3A, %add3A_48, %rem3A_37 : vector<224x224xi1>, vector<224x224xf32>
    %convert_element_type3A_49 = arith.fptosi %select_n3A : vector<224x224xf32> to vector<224x224xi32>
    %add3A_50 = arith.addf %convert_element_type3A_34, %get3A_31 : vector<224x224xf32>
    %jit3A_51 = arith.constant 2.240000e+02 : f32
    %rem3A_52 = vector.broadcast %jit3A_51 : f32 to vector<224x224xf32>
    %rem3A_53 = arith.remf %add3A_50, %rem3A_52 : vector<224x224xf32>
    %ne3A_54 = arith.constant 0.000000e+00 : f32
    %ne3A_55 = vector.broadcast %ne3A_54 : f32 to vector<224x224xf32>
    %ne3A_56 = arith.cmpf one, %rem3A_53, %ne3A_55 : vector<224x224xf32>
    %lt3A_57 = arith.constant 0.000000e+00 : f32
    %lt3A_58 = vector.broadcast %lt3A_57 : f32 to vector<224x224xf32>
    %lt3A_59 = arith.cmpf olt, %rem3A_53, %lt3A_58 : vector<224x224xf32>
    %lt3A_60 = arith.constant 0.000000e+00 : f32
    %lt3A_61 = arith.cmpf olt, %jit3A_51, %lt3A_60 : f32
    %ne3A_62 = vector.broadcast %lt3A_61 : i1 to vector<224x224xi1>
    %ne3A_63 = vector.broadcast %ne3A_62 : vector<224x224xi1> to vector<224x224xi1>
    %ne3A_64 = arith.xori %lt3A_59, %ne3A_63 : vector<224x224xi1>
    %and3A_65 = arith.andi %ne3A_64, %ne3A_56 : vector<224x224xi1>
    %add3A_66 = vector.broadcast %jit3A_51 : f32 to vector<224x224xf32>
    %add3A_67 = arith.addf %rem3A_53, %add3A_66 : vector<224x224xf32>
    %select_n3A_68 = arith.select %and3A_65, %add3A_67, %rem3A_53 : vector<224x224xi1>, vector<224x224xf32>
    %convert_element_type3A_69 = arith.fptosi %select_n3A_68 : vector<224x224xf32> to vector<224x224xi32>
    %min3A = arith.constant 223 : i32
    %min3A_70 = vector.broadcast %min3A : i32 to vector<224x224xi32>
    %min3A_71 = arith.minsi %convert_element_type3A_49, %min3A_70 : vector<224x224xi32>
    %min3A_72 = arith.constant 223 : i32
    %min3A_73 = vector.broadcast %min3A_72 : i32 to vector<224x224xi32>
    %min3A_74 = arith.minsi %convert_element_type3A_69, %min3A_73 : vector<224x224xi32>
    %mul3A_75 = arith.constant 224 : i32
    %mul3A_76 = arith.muli %arg0, %mul3A_75 : i32
    %add3A_77 = vector.broadcast %mul3A_76 : i32 to vector<224x224xi32>
    %add3A_78 = arith.addi %add3A_77, %min3A_74 : vector<224x224xi32>
    %mul3A_79 = arith.constant 224 : i32
    %mul3A_80 = vector.broadcast %mul3A_79 : i32 to vector<224x224xi32>
    %mul3A_81 = arith.muli %add3A_78, %mul3A_80 : vector<224x224xi32>
    %add3A_82 = arith.addi %mul3A_81, %min3A_71 : vector<224x224xi32>
    %swap3A_83 = arith.constant 0 : index
    %swap3A_84 = arith.constant 0 : index
    %swap3A_85 = arith.constant 0 : index
    %swap3A_86 = vector.load %arg5[%swap3A_83, %swap3A_84, %swap3A_85] : memref<1x224x224xi32, #tpu.memory_space<vmem>>, vector<1x224x224xi32>
    %swap3A_87 = vector.shape_cast %swap3A_86 : vector<1x224x224xi32> to vector<224x224xi32>
    %swap3A_88 = vector.shape_cast %add3A_82 : vector<224x224xi32> to vector<1x224x224xi32>
    tpu.vector_store %arg5[%swap3A_83, %swap3A_84, %swap3A_85], %swap3A_88 {strides = array<i32>} : memref<1x224x224xi32, #tpu.memory_space<vmem>>, vector<1x224x224xi32>,
    return
  }
  func.func @transform_0(%arg0: i32) -> (i32, i32, i32) {
    %c0_i32 = arith.constant 0 : i32
    %c0_i32_0 = arith.constant 0 : i32
    %c0_i32_1 = arith.constant 0 : i32
    return %arg0, %c0_i32, %c0_i32_0 : i32, i32, i32
  }
  func.func @transform_1(%arg0: i32) -> (i32, i32, i32) {
    %c0_i32 = arith.constant 0 : i32
    %c0_i32_0 = arith.constant 0 : i32
    %c0_i32_1 = arith.constant 0 : i32
    return %arg0, %c0_i32, %c0_i32_0 : i32, i32, i32
  }
  func.func @transform_2(%arg0: i32) -> (i32, i32, i32) {
    %c0_i32 = arith.constant 0 : i32
    %c0_i32_0 = arith.constant 0 : i32
    %c0_i32_1 = arith.constant 0 : i32
    return %arg0, %c0_i32, %c0_i32_0 : i32, i32, i32
  }
  func.func @transform_3(%arg0: i32) -> (i32, i32, i32) {
    %c0_i32 = arith.constant 0 : i32
    %c0_i32_0 = arith.constant 0 : i32
    %c0_i32_1 = arith.constant 0 : i32
    return %arg0, %c0_i32, %c0_i32_0 : i32, i32, i32
  }
  func.func @transform_4(%arg0: i32) -> (i32, i32, i32) {
    %c0_i32 = arith.constant 0 : i32
    %c0_i32_0 = arith.constant 0 : i32
    %c0_i32_1 = arith.constant 0 : i32
    return %arg0, %c0_i32, %c0_i32_0 : i32, i32, i32
  }
}

</mosaic_0001>

<sc_bundles>
// kernel: kernel.4.cloned.1.call-start
scs
__scs_entry_jumppad:
0x0: {  	(pc) =	sbr.rel $0x88, $3  }
0x1: {  	(tag) =	ssettag $0x0;
	lr =	simm.s32 $0x1  }
0x2: {  	[smem:$0x3FA0] =	sst lr;
	_ =	strace $0xD0000000  }
0x3: {  	_ = 	snop  }
0x4: {  	_ = 	snop  }
0x5: {  	_ = 	snop  }
0x6: {  	_ = 	snop  }
0x7: {  	_ = 	snop  }
__scs_overlays_trampoline_lowered:
0x8: {  	[smem:$0x3FAF] =	sst s0  }
0x9: {  	[smem:$0x3FB0] =	sst s1  }
0xa: {  	[smem:$0x3FB1] =	sst s2  }
0xb: {  	[smem:$0x3FB2] =	sst s3  }
0xc: {  	[smem:$0x3FB3] =	sst s4  }
0xd: {  	[smem:$0x3FB4] =	sst s5  }
0xe: {  	[smem:$0x3FB5] =	sst s6  }
0xf: {  	[smem:$0x3FB6] =	sst s7  }
0x10: {  	[smem:$0x3FB7] =	sst s8  }
0x11: {  	[smem:$0x3FB8] =	sst s9;
	s0 =	simm.s32 @!p0 $0x0  }
0x12: {  	s1 =	sld [smem:$0x3F9E];
	s0 =	simm.s32 @p0 $0x1  }
0x13: {  	[smem:$0x3FB9] =	sst s0;
	s0 =	simm.s32 @!p1 $0x0  }
0x14: {  	s2 =	sld [smem:$0x3F9D];
	s0 =	simm.s32 @p1 $0x1  }
0x15: {  	[smem:$0x3FBA] =	sst s0;
	s0 =	simm.s32 @!p2 $0x0  }
0x16: {  	s3 =	sld [smem:$0x3FDB];
	s0 =	simm.s32 @p2 $0x1  }
0x17: {  	s4 =	simm.s32 $0x1BF5;
	[smem:$0x3FBC] =	sst s0  }
0x18: {  	s0 =	sld [smem:$0x3F9F];
	_ =	swait.ge [sflag:s4], $0x0  }
0x19: {  	s7 =	sld [smem:$0x3FA0]  }
0x1a: {  	s8 =	sadd.s32 $0xFFFFE003, lr  }
0x1b: {  	s9 =	sadd.s32 $0xFFFFFEF7, lr;
	s5 =	simm.s32 $0xFFFFFFFF;
	p2 =	slt.u32 s8, $0xFFFFF086  }
0x1c: {  	p1 =	slt.u32 s9, $0xF7A;
	s5 =	simm.s32 @!p2 $0x0  }
0x1d: {  	s5 =	simm.s32 @p1 $0x1;
	p0 =	seq.s32 s7, s2  }
0x1e: {  	s7 =	smul.u32 @!p0 $0xF7A, s2;
	p2 =	seq.s32 @!p0 s5, $0x0  }
0x1f: {  	s9 =	smul.u32 $0xF7A, s1;
	s8 =	simm.s32 @!p0 $0x1BF5;
	p2 =	por !p2, p0  }
0x20: {  	[sflag:s8] =	ssyncset.s32 @!p0 $0xFFFFF086;
	s6 =	sadd.s32 @!p0 s3, s7;
	s7 =	simm.s32 @!p0 $0x108  }
0x21: {  	s3 =	sadd.s32 s3, s9;
	s6 =	sadd.s32 @!p0 $0x88, s6;
	s7 =	simm.s32 @p2 $0x1082  }
0x22: {  	[simem:s7], [sflag:s8] =	dma.local @!p0 [hbm:s6], $0xF7A  }
0x23: {  	s9 =	sor.u32 $0xD0000000, s2;
	s6 =	simm.s32 $0x108;
	_ =	swait.ge @!p0 [sflag:s8], $0x0  }
0x24: {  	s3 =	sadd.s32 $0x88, s3;
	s6 =	simm.s32 @!p1 $0x1082;
	[sflag:s4] =	ssyncset.s32 $0xFFFFF086  }
0x25: {  	[simem:s6], [sflag:s4] =	dma.local [hbm:s3], $0xF7A  }
0x26: {  	[smem:$0x3FA0] =	sst s1;
	(tag) =	ssettag s2;
	_ =	strace s9  }
0x27: {  	s1 =	sld [smem:$0x3FB0]  }
0x28: {  	s2 =	sld [smem:$0x3FB1]  }
0x29: {  	s4 =	sld [smem:$0x3FB3]  }
0x2a: {  	p0 =	seq.s32 s5, $0x0;
	s5 =	sld [smem:$0x3FB4]  }
0x2b: {  	s6 =	sld [smem:$0x3FB5]  }
0x2c: {  	s7 =	sld [smem:$0x3FB6]  }
0x2d: {  	s3 =	simm.s32 $0x108;
	s8 =	sld [smem:$0x3FB7]  }
0x2e: {  	s3 =	simm.s32 @!p0 $0x1082;
	s9 =	sld [smem:$0x3FB8]  }
0x2f: {  	lr =	sadd.s32 s0, s3;
	s0 =	sld [smem:$0x3FAF]  }
0x30: {  	s3 =	sld [smem:$0x3FB2]  }
0x31: {  	[smem:$0x3FBB] =	sst s10  }
0x32: {  	s10 =	sld [smem:$0x3FB9];
	_ =	sdelay $0x3  }
0x33: {  	p0 =	seq.s32 s10, $0x1;
	s10 =	sld [smem:$0x3FBB];
	_ =	sdelay $0x3  }
0x34: {  	[smem:$0x3FBB] =	sst s10  }
0x35: {  	s10 =	sld [smem:$0x3FBA];
	_ =	sdelay $0x3  }
0x36: {  	p1 =	seq.s32 s10, $0x1;
	s10 =	sld [smem:$0x3FBB];
	_ =	sdelay $0x3  }
0x37: {  	[smem:$0x3FBB] =	sst s10  }
0x38: {  	s10 =	sld [smem:$0x3FBC]  }
0x39: {  	_ = 	snop;
	(pc) =	sbr.ind lr, $3  }
0x3a: {  	_ = 	snop  }
0x3b: {  	_ = 	snop  }
0x3c: {  	p2 =	seq.s32 s10, $0x1;
	s10 =	sld [smem:$0x3FBB]  }
0x3d: {  	_ =	shalt  }
0x3e: {  	_ =	shalt  }
0x3f: {  	_ =	shalt  }
0x40: {  	_ =	shalt  }
0x41: {  	_ =	shalt  }
0x42: {  	_ =	shalt  }
0x43: {  	_ =	shalt  }
0x44: {  	_ =	shalt  }
0x45: {  	_ =	shalt  }
0x46: {  	_ =	shalt  }
0x47: {  	_ =	shalt  }
0x48: {  	_ =	shalt  }
0x49: {  	_ =	shalt  }
0x4a: {  	_ =	shalt  }
0x4b: {  	_ =	shalt  }
0x4c: {  	_ =	shalt  }
0x4d: {  	_ =	shalt  }
0x4e: {  	_ =	shalt  }
0x4f: {  	_ =	shalt  }
0x50: {  	_ =	shalt  }
0x51: {  	_ =	shalt  }
0x52: {  	_ =	shalt  }
0x53: {  	_ =	shalt  }
0x54: {  	_ =	shalt  }
0x55: {  	_ =	shalt  }
0x56: {  	_ =	shalt  }
0x57: {  	_ =	shalt  }
0x58: {  	_ =	shalt  }
0x59: {  	_ =	shalt  }
0x5a: {  	_ =	shalt  }
0x5b: {  	_ =	shalt  }
0x5c: {  	_ =	shalt  }
0x5d: {  	_ =	shalt  }
0x5e: {  	_ =	shalt  }
0x5f: {  	_ =	shalt  }
0x60: {  	_ =	shalt  }
0x61: {  	_ =	shalt  }
0x62: {  	_ =	shalt  }
0x63: {  	_ =	shalt  }
0x64: {  	_ =	shalt  }
0x65: {  	_ =	shalt  }
0x66: {  	_ =	shalt  }
0x67: {  	_ =	shalt  }
0x68: {  	_ =	shalt  }
0x69: {  	_ =	shalt  }
0x6a: {  	_ =	shalt  }
0x6b: {  	_ =	shalt  }
0x6c: {  	_ =	shalt  }
0x6d: {  	_ =	shalt  }
0x6e: {  	_ =	shalt  }
0x6f: {  	_ =	shalt  }
0x70: {  	_ =	shalt  }
0x71: {  	_ =	shalt  }
0x72: {  	_ =	shalt  }
0x73: {  	_ =	shalt  }
0x74: {  	_ =	shalt  }
0x75: {  	_ =	shalt  }
0x76: {  	_ =	shalt  }
0x77: {  	_ =	shalt  }
0x78: {  	_ =	shalt  }
0x79: {  	_ =	shalt  }
0x7a: {  	_ =	shalt  }
0x7b: {  	_ =	shalt  }
0x7c: {  	_ =	shalt  }
0x7d: {  	_ =	shalt  }
0x7e: {  	_ =	shalt  }
0x7f: {  	_ =	shalt  }
0x80: {  	_ =	shalt  }
0x81: {  	_ =	shalt  }
0x82: {  	_ =	shalt  }
0x83: {  	_ =	shalt  }
0x84: {  	_ =	shalt  }
0x85: {  	_ =	shalt  }
0x86: {  	_ =	shalt  }
0x87: {  	_ =	shalt  }
.Lfunc_end0:
.L_simem_size_0:
called_computation.2_lowered:
.L_overlay_start_0:
0x88: {  	s2 =	sld [smem:$0x3FD9]  }
0x89: {  	s3 =	sld [smem:$0x3FFE];
	_ =	sdelay $0x1  }
0x8a: {  	s1 =	srdreg.scid  }
0x8b: {  	s0 =	sand.u32 $0x1, s1  }
0x8c: {  	s17 =	sshll.u32 s0, $0xA;
	s2 =	sadd.s32 s3, s2  }
0x8d: {  	s2 =	sadd.s32 s2, s17  }
0x8e: {  	[smem:$0x3FC7] =	sst s2  }
0x8f: {  	_ = 	snop  }
0x90: {  	s2 =	sld [smem:$0x3FD0];
	(tm) =	ssettm $0x1  }
0x91: {  	s18 =	sld [smem:$0x3FFB];
	_ =	sdelay $0x3  }
0x92: {  	_ =	strace s18  }
0x93: {  	s3 =	sld [smem:$0x3FFC];
	_ =	sdelay $0x3  }
0x94: {  	_ =	strace s3  }
0x95: {  	s3 =	sld [smem:$0x3FFD];
	_ =	sdelay $0x3  }
0x96: {  	_ =	strace s3  }
0x97: {  	_ =	strace $0x8FFFFFFF  }
0x98: {  	s19 =	sld [smem:$0x3FDB];
	_ =	sdelay $0x1  }
0x99: {  	s4 =	simm.s32 $_scs_section_size  }
0x9a: {  	s5 =	simm.s32 $_size__tile_overlayer_lowered;
	s6 =	simm.s32 $_tile_overlayer_lowered  }
0x9b: {  	s22 =	simm.s32 $0x1BFF;
	s21 =	sshll.u32 s6, $0x1;
	s3 =	sadd.s32 s4, s19  }
0x9c: {  	s7 =	simm.s32 $0x0;
	s20 =	sshll.u32 s5, $0x1;
	s5 =	sadd.s32 s21, s3  }
0x9d: {  	[timem:s7], [sflag:s22] =	dma.local [hbm:s5], s20  }
0x9e: {  	_ =	swait.ge [sflag:s22], s20  }
0x9f: {  	s4 =	ssub.s32 $0x0, s20;
	[sflag:s22] =	ssyncset.done $0x0  }
0xa0: {  	[sflag:s22] =	ssyncadd.s32 s4;
	_ =	sdelay $0x1  }
0xa1: {  	s23 =	simm.s32 $0x1B8B  }
0xa2: {  	_ =	swait.ge [sflag:s23], $0x1  }
0xa3: {  	[sflag:s23] =	ssyncset.done $0x0  }
0xa4: {  	s25 =	simm.s32 $0x1B8E;
	s24 =	sld [smem:$0x3FFE];
	[sflag:s23] =	ssyncadd.s32 $0xFFFFFFFF  }
0xa5: {  	s26 =	simm.s32 $execute0_lowered;
	[smem:$0x3FD2] =	sst s25  }
0xa6: {  	s5 =	sshll.u32 s26, $0x1;
	_ =	strace $0x80000049;
	[dreg:$0x1] =	wrdreg $0xFFFFFFFF  }
0xa7: {  	s28 =	simm.s32 $_size_execute0_lowered;
	s3 =	sadd.s32 s3, s5;
	[dreg:$0x0] =	wrdreg $0x0  }
0xa8: {  	s5 =	sshll.u32 s28, $0x1;
	[dreg:$0x2] =	wrdreg s3  }
0xa9: {  	[dreg:$0x3] =	wrdreg s5  }
0xaa: {  	[dreg:$0x4] =	wrdreg $0xC0  }
0xab: {  	_ =	task [dreg:s7], $0x5FFFF  }
0xac: {  	[dreg:$0x1] =	wrdreg $0xFFFFFFFF  }
0xad: {  	[dreg:$0x0] =	wrdreg $0x60  }
0xae: {  	[dreg:$0x2] =	wrdreg s24  }
0xaf: {  	[dreg:$0x3] =	wrdreg s2  }
0xb0: {  	[dreg:$0x4] =	wrdreg $0x9  }
0xb1: {  	_ =	task.clear_ibuf [dreg:s7], $0x5FFFF;
	_ =	strace $0x90000049  }
0xb2: {  	s29 =	simm.s32 $0x9;
	_ =	strace $0x8000004B  }
0xb3: {  	_ =	swait.ge [sflag:s29], $0x1  }
0xb4: {  	[sflag:s29] =	ssyncadd.s32 $0xFFFFFFFF  }
0xb5: {  	_ =	strace $0x9000004B  }
0xb6: {  	_ =	sfence  }
0xb7: {  	s30 =	sld [smem:$0x0];
	_ =	sdelay $0x2  }
0xb8: {  	s31 =	sshll.u32 s1, $0xD;
	s1 =	sshrl.u32 s1, $0x2  }
0xb9: {  	s3 =	sand.u32 $0x4000, s31;
	s1 =	sadd.s32 s1, s30  }
0xba: {  	s0 =	sor.u32 s3, s0;
	s1 =	sshll.u32 s1, $0x11  }
0xbb: {  	s0 =	sor.u32 s1, s0  }
0xbc: {  	s0 =	sadd.s32 $0x8F2B, s0  }
0xbd: {  	[sflag:s0] =	ssyncadd.remote.s32 $0x1  }
0xbe: {  	_ =	sfence.sel $0xFFFF  }
0xbf: {  	[dreg:$0x0] =	wrdreg $0xFFFFFFFF;
	(pc) =	sbr.abs _section_cstart, $3  }
0xc0: {  	[dreg:$0x1] =	wrdreg $0xFFFFFFFF  }
0xc1: {  	_ =	task.clear_ibuf [dreg:s7], $0x2FFFF;
	_ =	strace $0x9FFFFFFF  }
0xc2: {  	(tm) =	ssettm $0x7FFFFFFF  }
0xc3: {  	_ =	shalt  }
tec
execute0_lowered:
.L_overlay_start_1:
0x0: {  	(tag) =	ssettag $0x1  }
0x1: {  	s0 =	rddreg [dreg:$0x0]  }
0x2: {  	s1 =	rddreg [dreg:$0x1]  }
0x3: {  	s6 =	stileid.u32;
	s3 =	srdreg.scid;
	s2 =	simm.s32 $0x0  }
0x4: {  	s18 =	simm.s32 $0xC00;
	s20 =	simm.s32 $0x100;
	s21 =	simm.s32 $0x1000  }
0x5: {  	s22 =	simm.s32 $0x180;
	s23 =	simm.s32 $0x1400;
	s24 =	simm.s32 $0x200  }
0x6: {  	s25 =	simm.s32 $0x1800;
	s26 =	simm.s32 $0x280;
	s7 =	simm.s32 $0x80  }
0x7: {  	s31 =	simm.s32 $0x1C00;
	s8 =	simm.s32 $0x800;
	[smem:$0x7FF] =	sst s2  }
0x8: {  	s9 =	simm.s32 $0x300;
	_ =	strace $0x8000004A;
	[dreg:$0x4] =	wrdreg s18  }
0x9: {  	s10 =	simm.s32 $0x2000;
	s11 =	simm.s32 $0x380;
	[dreg:$0x5] =	wrdreg s20  }
0xa: {  	s12 =	simm.s32 $0x2400;
	s13 =	simm.s32 $0x400;
	[dreg:$0x6] =	wrdreg s21  }
0xb: {  	s14 =	simm.s32 $0x2800;
	s28 =	simm.s32 $0x780;
	[dreg:$0x7] =	wrdreg s22  }
0xc: {  	s29 =	simm.s32 $0x4400;
	s30 =	simm.s32 $0x1;
	[dreg:$0x8] =	wrdreg s23  }
0xd: {  	s4 =	smul.u32 $0x31000, s6;
	s5 =	sand.u32 $0x1, s3;
	[dreg:$0x9] =	wrdreg s24  }
0xe: {  	s15 =	smul.u32 $0x6200, s6;
	s3 =	sadd.s32 $0x1000, s0;
	[dreg:$0xa] =	wrdreg s25  }
0xf: {  	s6 =	simm.s32 $0x2;
	s16 =	smul.u32 $0x3100, s5;
	[dreg:$0xb] =	wrdreg s26  }
0x10: {  	s17 =	ssub.s32 $0x2, s5;
	s5 =	smul.u32 $0x18800, s5;
	[dreg:$0xc] =	wrdreg s31  }
0x11: {  	s18 =	simm.s32 $0x3000;
	s20 =	simm.s32 $0x3400;
	s21 =	simm.s32 $0x600  }
0x12: {  	s22 =	simm.s32 $0x3800;
	s23 =	simm.s32 $0x680;
	s24 =	simm.s32 $0x3C00  }
0x13: {  	s25 =	simm.s32 $0x700;
	s26 =	simm.s32 $0x4000;
	s1 =	sadd.s32 s15, s1  }
0x14: {  	s0 =	sadd.s32 s4, s0;
	s19 =	sshrl.u32 s17, $0x1;
	s15 =	simm.s32 $0x480  }
0x15: {  	s1 =	sadd.s32 s16, s1;
	s4 =	ssub.s32 s17, s19;
	s0 =	sadd.s32 s5, s0  }
0x16: {  	s16 =	simm.s32 $0x2C00;
	[dreg:$0x3] =	wrdreg s1;
	s4 =	smax.u32 s4, $0x1  }
0x17: {  	s17 =	simm.s32 $0x500;
	s0 =	sadd.s32 $0x311000, s0;
	[dreg:$0xd] =	wrdreg s4  }
0x18: {  	s19 =	simm.s32 $0x580;
	s1 =	simm.s32 $0x0;
	[dreg:$0xe] =	wrdreg s0  }
.LBB2_1:
0x19: {  	s0 =	rddreg [dreg:$0x3]  }
0x1a: {  	[dreg:$0xf] =	wrdreg s1;
	s0 =	sadd.s32 $0x0, s0  }
0x1b: {  	[tilespmem:s2], [sflag:$0x2] =	stream.linear.gather [hbm4b:s0+s2], $0x800, $0x38;
	[tilespmem:$0x4800] =	vst v63  }
0x1c: {  	_ =	swait.ge [sflag:s6], $0x800  }
0x1d: {  	s0 =	rddreg [dreg:$0x5]  }
0x1e: {  	[sflag:s6] =	ssyncset.done $0x0;
	s31 =	rddreg [dreg:$0x4]  }
0x1f: {  	s5 =	rddreg [dreg:$0x6];
	[sflag:s6] =	ssyncadd.s32 $0xFFFFF800  }
0x20: {  	[tilespmem:s8], [sflag:$0x1] =	stream.indirect.gather [hbm4b:s3+s7], $0x8, s2, s7, $0xb8;
	[tilespmem:$0x4800] =	vst v63  }
0x21: {  	s4 =	rddreg [dreg:$0x8]  }
0x22: {  	[tilespmem:s31], [sflag:$0x1] =	stream.indirect.gather [hbm4b:s3+s7], $0x8, s7, s7, $0xb8;
	[tilespmem:$0x4800] =	vst v63  }
0x23: {  	s31 =	rddreg [dreg:$0x7]  }
0x24: {  	[tilespmem:s5], [sflag:$0x1] =	stream.indirect.gather [hbm4b:s3+s7], $0x8, s0, s7, $0xb8;
	[tilespmem:$0x4800] =	vst v63  }
0x25: {  	s0 =	rddreg [dreg:$0xa]  }
0x26: {  	s5 =	rddreg [dreg:$0x9]  }
0x27: {  	[tilespmem:s4], [sflag:$0x1] =	stream.indirect.gather [hbm4b:s3+s7], $0x8, s31, s7, $0xb8;
	[tilespmem:$0x4800] =	vst v63  }
0x28: {  	s4 =	rddreg [dreg:$0xc]  }
0x29: {  	[tilespmem:s0], [sflag:$0x1] =	stream.indirect.gather [hbm4b:s3+s7], $0x8, s5, s7, $0xb8;
	[tilespmem:$0x4800] =	vst v63  }
0x2a: {  	s31 =	rddreg [dreg:$0xb]  }
0x2b: {  	[tilespmem:s4], [sflag:$0x1] =	stream.indirect.gather [hbm4b:s3+s7], $0x8, s31, s7, $0xb8;
	[tilespmem:$0x4800] =	vst v63  }
0x2c: {  	_ = 	snop  }
0x2d: {  	[tilespmem:s10], [sflag:$0x1] =	stream.indirect.gather [hbm4b:s3+s7], $0x8, s9, s7, $0xb8;
	[tilespmem:$0x4800] =	vst v63  }
0x2e: {  	_ = 	snop  }
0x2f: {  	[tilespmem:s12], [sflag:$0x1] =	stream.indirect.gather [hbm4b:s3+s7], $0x8, s11, s7, $0xb8;
	[tilespmem:$0x4800] =	vst v63  }
0x30: {  	_ = 	snop  }
0x31: {  	[tilespmem:s14], [sflag:$0x1] =	stream.indirect.gather [hbm4b:s3+s7], $0x8, s13, s7, $0xb8;
	[tilespmem:$0x4800] =	vst v63  }
0x32: {  	_ = 	snop  }
0x33: {  	[tilespmem:s16], [sflag:$0x1] =	stream.indirect.gather [hbm4b:s3+s7], $0x8, s15, s7, $0xb8;
	[tilespmem:$0x4800] =	vst v63  }
0x34: {  	_ = 	snop  }
0x35: {  	[tilespmem:s18], [sflag:$0x1] =	stream.indirect.gather [hbm4b:s3+s7], $0x8, s17, s7, $0xb8;
	[tilespmem:$0x4800] =	vst v63  }
0x36: {  	_ = 	snop  }
0x37: {  	[tilespmem:s20], [sflag:$0x1] =	stream.indirect.gather [hbm4b:s3+s7], $0x8, s19, s7, $0xb8;
	[tilespmem:$0x4800] =	vst v63  }
0x38: {  	_ = 	snop  }
0x39: {  	[tilespmem:s22], [sflag:$0x1] =	stream.indirect.gather [hbm4b:s3+s7], $0x8, s21, s7, $0xb8;
	[tilespmem:$0x4800] =	vst v63  }
0x3a: {  	_ = 	snop  }
0x3b: {  	[tilespmem:s24], [sflag:$0x1] =	stream.indirect.gather [hbm4b:s3+s7], $0x8, s23, s7, $0xb8;
	[tilespmem:$0x4800] =	vst v63  }
0x3c: {  	_ = 	snop  }
0x3d: {  	[tilespmem:s26], [sflag:$0x1] =	stream.indirect.gather [hbm4b:s3+s7], $0x8, s25, s7, $0xb8;
	[tilespmem:$0x4800] =	vst v63  }
0x3e: {  	_ = 	snop  }
0x3f: {  	[tilespmem:s29], [sflag:$0x1] =	stream.indirect.gather [hbm4b:s3+s7], $0x8, s28, s7, $0xb8;
	[tilespmem:$0x4800] =	vst v63  }
0x40: {  	_ =	swait.ge [sflag:s30], $0x400  }
0x41: {  	[sflag:s30] =	ssyncset.done $0x0  }
0x42: {  	[sflag:s30] =	ssyncadd.s32 $0xFFFFFC00  }
0x43: {  	_ =	swait.ge [sflag:s30], $0x400  }
0x44: {  	[sflag:s30] =	ssyncset.done $0x0  }
0x45: {  	[sflag:s30] =	ssyncadd.s32 $0xFFFFFC00  }
0x46: {  	_ =	swait.ge [sflag:s30], $0x400  }
0x47: {  	[sflag:s30] =	ssyncset.done $0x0  }
0x48: {  	[sflag:s30] =	ssyncadd.s32 $0xFFFFFC00  }
0x49: {  	_ =	swait.ge [sflag:s30], $0x400  }
0x4a: {  	[sflag:s30] =	ssyncset.done $0x0  }
0x4b: {  	[sflag:s30] =	ssyncadd.s32 $0xFFFFFC00  }
0x4c: {  	_ =	swait.ge [sflag:s30], $0x400  }
0x4d: {  	[sflag:s30] =	ssyncset.done $0x0  }
0x4e: {  	[sflag:s30] =	ssyncadd.s32 $0xFFFFFC00  }
0x4f: {  	_ =	swait.ge [sflag:s30], $0x400  }
0x50: {  	[sflag:s30] =	ssyncset.done $0x0  }
0x51: {  	[sflag:s30] =	ssyncadd.s32 $0xFFFFFC00  }
0x52: {  	_ =	swait.ge [sflag:s30], $0x400  }
0x53: {  	[sflag:s30] =	ssyncset.done $0x0  }
0x54: {  	[sflag:s30] =	ssyncadd.s32 $0xFFFFFC00  }
0x55: {  	_ =	swait.ge [sflag:s30], $0x400  }
0x56: {  	[sflag:s30] =	ssyncset.done $0x0  }
0x57: {  	[sflag:s30] =	ssyncadd.s32 $0xFFFFFC00  }
0x58: {  	_ =	swait.ge [sflag:s30], $0x400  }
0x59: {  	[sflag:s30] =	ssyncset.done $0x0  }
0x5a: {  	[sflag:s30] =	ssyncadd.s32 $0xFFFFFC00  }
0x5b: {  	_ =	swait.ge [sflag:s30], $0x400  }
0x5c: {  	[sflag:s30] =	ssyncset.done $0x0  }
0x5d: {  	[sflag:s30] =	ssyncadd.s32 $0xFFFFFC00  }
0x5e: {  	_ =	swait.ge [sflag:s30], $0x400  }
0x5f: {  	[sflag:s30] =	ssyncset.done $0x0  }
0x60: {  	[sflag:s30] =	ssyncadd.s32 $0xFFFFFC00  }
0x61: {  	_ =	swait.ge [sflag:s30], $0x400  }
0x62: {  	[sflag:s30] =	ssyncset.done $0x0  }
0x63: {  	[sflag:s30] =	ssyncadd.s32 $0xFFFFFC00  }
0x64: {  	_ =	swait.ge [sflag:s30], $0x400  }
0x65: {  	[sflag:s30] =	ssyncset.done $0x0  }
0x66: {  	[sflag:s30] =	ssyncadd.s32 $0xFFFFFC00  }
0x67: {  	_ =	swait.ge [sflag:s30], $0x400  }
0x68: {  	[sflag:s30] =	ssyncset.done $0x0  }
0x69: {  	[sflag:s30] =	ssyncadd.s32 $0xFFFFFC00  }
0x6a: {  	_ =	swait.ge [sflag:s30], $0x400  }
0x6b: {  	[sflag:s30] =	ssyncset.done $0x0  }
0x6c: {  	[sflag:s30] =	ssyncadd.s32 $0xFFFFFC00  }
0x6d: {  	_ =	swait.ge [sflag:s30], $0x400  }
0x6e: {  	[sflag:s30] =	ssyncset.done $0x0;
	s5 =	rddreg [dreg:$0xe]  }
0x6f: {  	s0 =	simm.s32 $0x100;
	[sflag:s30] =	ssyncadd.s32 $0xFFFFFC00;
	s1 =	sadd.s32 $0x800, s5  }
.LBB2_2:
0x70: {  	[hbm4b:s5+s2] =	stream.linear.scatter [tilespmem:s8], [sflag:$0x2], $0x4000, $0x38;
	[tilespmem:$0x4800] =	vst v63  }
0x71: {  	_ =	swait.ge [sflag:s6], $0x4000  }
0x72: {  	s4 =	smov.u32 s0;
	s31 =	rddreg [dreg:$0x3];
	[sflag:s6] =	ssyncset.done $0x0  }
0x73: {  	[sflag:s6] =	ssyncadd.s32 $0xFFFFC000;
	s4 =	sadd.s32 s4, s31  }
0x74: {  	[tilespmem:s2], [sflag:$0x2] =	stream.linear.gather [hbm4b:s4+s2], $0x800, $0x38;
	[tilespmem:$0x4800] =	vst v63  }
0x75: {  	_ =	swait.ge [sflag:s6], $0x800  }
0x76: {  	s4 =	rddreg [dreg:$0xc]  }
0x77: {  	s31 =	rddreg [dreg:$0xa]  }
0x78: {  	[sflag:s6] =	ssyncset.done $0x0;
	s9 =	rddreg [dreg:$0x5]  }
0x79: {  	s10 =	rddreg [dreg:$0x4];
	[sflag:s6] =	ssyncadd.s32 $0xFFFFF800  }
0x7a: {  	[tilespmem:s8], [sflag:$0x1] =	stream.indirect.gather [hbm4b:s3+s7], $0x8, s2, s7, $0xb8;
	[tilespmem:$0x4800] =	vst v63  }
0x7b: {  	s11 =	rddreg [dreg:$0x6]  }
0x7c: {  	[tilespmem:s10], [sflag:$0x1] =	stream.indirect.gather [hbm4b:s3+s7], $0x8, s7, s7, $0xb8;
	[tilespmem:$0x4800] =	vst v63  }
0x7d: {  	s12 =	rddreg [dreg:$0x8]  }
0x7e: {  	[tilespmem:s11], [sflag:$0x1] =	stream.indirect.gather [hbm4b:s3+s7], $0x8, s9, s7, $0xb8;
	[tilespmem:$0x4800] =	vst v63  }
0x7f: {  	s10 =	rddreg [dreg:$0x7]  }
0x80: {  	[tilespmem:s12], [sflag:$0x1] =	stream.indirect.gather [hbm4b:s3+s7], $0x8, s10, s7, $0xb8;
	[tilespmem:$0x4800] =	vst v63  }
0x81: {  	s9 =	rddreg [dreg:$0x9]  }
0x82: {  	[tilespmem:s31], [sflag:$0x1] =	stream.indirect.gather [hbm4b:s3+s7], $0x8, s9, s7, $0xb8;
	[tilespmem:$0x4800] =	vst v63  }
0x83: {  	s10 =	rddreg [dreg:$0xb]  }
0x84: {  	[tilespmem:s4], [sflag:$0x1] =	stream.indirect.gather [hbm4b:s3+s7], $0x8, s10, s7, $0xb8;
	[tilespmem:$0x4800] =	vst v63  }
0x85: {  	s9 =	simm.s32 $0x300;
	s10 =	simm.s32 $0x2000  }
0x86: {  	[tilespmem:s10], [sflag:$0x1] =	stream.indirect.gather [hbm4b:s3+s7], $0x8, s9, s7, $0xb8;
	[tilespmem:$0x4800] =	vst v63  }
0x87: {  	s11 =	simm.s32 $0x380;
	s12 =	simm.s32 $0x2400  }
0x88: {  	[tilespmem:s12], [sflag:$0x1] =	stream.indirect.gather [hbm4b:s3+s7], $0x8, s11, s7, $0xb8;
	[tilespmem:$0x4800] =	vst v63  }
0x89: {  	_ = 	snop  }
0x8a: {  	[tilespmem:s14], [sflag:$0x1] =	stream.indirect.gather [hbm4b:s3+s7], $0x8, s13, s7, $0xb8;
	[tilespmem:$0x4800] =	vst v63  }
0x8b: {  	_ = 	snop  }
0x8c: {  	[tilespmem:s16], [sflag:$0x1] =	stream.indirect.gather [hbm4b:s3+s7], $0x8, s15, s7, $0xb8;
	[tilespmem:$0x4800] =	vst v63  }
0x8d: {  	_ = 	snop  }
0x8e: {  	[tilespmem:s18], [sflag:$0x1] =	stream.indirect.gather [hbm4b:s3+s7], $0x8, s17, s7, $0xb8;
	[tilespmem:$0x4800] =	vst v63  }
0x8f: {  	_ = 	snop  }
0x90: {  	[tilespmem:s20], [sflag:$0x1] =	stream.indirect.gather [hbm4b:s3+s7], $0x8, s19, s7, $0xb8;
	[tilespmem:$0x4800] =	vst v63  }
0x91: {  	_ = 	snop  }
0x92: {  	[tilespmem:s22], [sflag:$0x1] =	stream.indirect.gather [hbm4b:s3+s7], $0x8, s21, s7, $0xb8;
	[tilespmem:$0x4800] =	vst v63  }
0x93: {  	_ = 	snop  }
0x94: {  	[tilespmem:s24], [sflag:$0x1] =	stream.indirect.gather [hbm4b:s3+s7], $0x8, s23, s7, $0xb8;
	[tilespmem:$0x4800] =	vst v63  }
0x95: {  	_ = 	snop  }
0x96: {  	[tilespmem:s26], [sflag:$0x1] =	stream.indirect.gather [hbm4b:s3+s7], $0x8, s25, s7, $0xb8;
	[tilespmem:$0x4800] =	vst v63  }
0x97: {  	_ = 	snop  }
0x98: {  	[tilespmem:s29], [sflag:$0x1] =	stream.indirect.gather [hbm4b:s3+s7], $0x8, s28, s7, $0xb8;
	[tilespmem:$0x4800] =	vst v63  }
0x99: {  	_ =	swait.ge [sflag:s30], $0x400  }
0x9a: {  	[sflag:s30] =	ssyncset.done $0x0  }
0x9b: {  	[sflag:s30] =	ssyncadd.s32 $0xFFFFFC00  }
0x9c: {  	_ =	swait.ge [sflag:s30], $0x400  }
0x9d: {  	[sflag:s30] =	ssyncset.done $0x0  }
0x9e: {  	[sflag:s30] =	ssyncadd.s32 $0xFFFFFC00  }
0x9f: {  	_ =	swait.ge [sflag:s30], $0x400  }
0xa0: {  	[sflag:s30] =	ssyncset.done $0x0  }
0xa1: {  	[sflag:s30] =	ssyncadd.s32 $0xFFFFFC00  }
0xa2: {  	_ =	swait.ge [sflag:s30], $0x400  }
0xa3: {  	[sflag:s30] =	ssyncset.done $0x0  }
0xa4: {  	[sflag:s30] =	ssyncadd.s32 $0xFFFFFC00  }
0xa5: {  	_ =	swait.ge [sflag:s30], $0x400  }
0xa6: {  	[sflag:s30] =	ssyncset.done $0x0  }
0xa7: {  	[sflag:s30] =	ssyncadd.s32 $0xFFFFFC00  }
0xa8: {  	_ =	swait.ge [sflag:s30], $0x400  }
0xa9: {  	[sflag:s30] =	ssyncset.done $0x0  }
0xaa: {  	[sflag:s30] =	ssyncadd.s32 $0xFFFFFC00  }
0xab: {  	_ =	swait.ge [sflag:s30], $0x400  }
0xac: {  	[sflag:s30] =	ssyncset.done $0x0  }
0xad: {  	[sflag:s30] =	ssyncadd.s32 $0xFFFFFC00  }
0xae: {  	_ =	swait.ge [sflag:s30], $0x400  }
0xaf: {  	[sflag:s30] =	ssyncset.done $0x0  }
0xb0: {  	[sflag:s30] =	ssyncadd.s32 $0xFFFFFC00  }
0xb1: {  	_ =	swait.ge [sflag:s30], $0x400  }
0xb2: {  	[sflag:s30] =	ssyncset.done $0x0  }
0xb3: {  	[sflag:s30] =	ssyncadd.s32 $0xFFFFFC00  }
0xb4: {  	_ =	swait.ge [sflag:s30], $0x400  }
0xb5: {  	[sflag:s30] =	ssyncset.done $0x0  }
0xb6: {  	[sflag:s30] =	ssyncadd.s32 $0xFFFFFC00  }
0xb7: {  	_ =	swait.ge [sflag:s30], $0x400  }
0xb8: {  	[sflag:s30] =	ssyncset.done $0x0  }
0xb9: {  	[sflag:s30] =	ssyncadd.s32 $0xFFFFFC00  }
0xba: {  	_ =	swait.ge [sflag:s30], $0x400  }
0xbb: {  	[sflag:s30] =	ssyncset.done $0x0  }
0xbc: {  	[sflag:s30] =	ssyncadd.s32 $0xFFFFFC00  }
0xbd: {  	_ =	swait.ge [sflag:s30], $0x400  }
0xbe: {  	[sflag:s30] =	ssyncset.done $0x0  }
0xbf: {  	[sflag:s30] =	ssyncadd.s32 $0xFFFFFC00  }
0xc0: {  	_ =	swait.ge [sflag:s30], $0x400  }
0xc1: {  	[sflag:s30] =	ssyncset.done $0x0  }
0xc2: {  	[sflag:s30] =	ssyncadd.s32 $0xFFFFFC00  }
0xc3: {  	p0 =	sne.s32 s0, $0x3000;
	_ =	swait.ge [sflag:s30], $0x400  }
.Ltmp0:
0xc4: {  	[sflag:s30] =	ssyncset.done $0x0;
	(pc) =	sbr.rel @p0 .LBB2_2-.Ltmp0, $4  }
0xc5: {  	[sflag:s30] =	ssyncadd.s32 $0xFFFFFC00  }
0xc6: {  	_ =	swait.ge [sflag:s30], $0x400  }
0xc7: {  	s5 =	smov.u32 s1;
	[sflag:s30] =	ssyncset.done $0x0  }
0xc8: {  	s0 =	sadd.s32 $0x100, s0;
	s1 =	sadd.s32 $0x800, s1;
	[sflag:s30] =	ssyncadd.s32 $0xFFFFFC00  }
0xc9: {  	[hbm4b:s5+s2] =	stream.linear.scatter [tilespmem:s8], [sflag:$0x2], $0x4000, $0x38;
	[tilespmem:$0x4800] =	vst v63  }
0xca: {  	_ =	swait.ge [sflag:s6], $0x4000  }
0xcb: {  	s1 =	rddreg [dreg:$0xf]  }
0xcc: {  	s0 =	rddreg [dreg:$0xd];
	s1 =	sadd.s32 $0x1, s1  }
0xcd: {  	p0 =	sne.s32 s1, s0  }
.Ltmp1:
0xce: {  	_ = 	snop;
	(pc) =	sbr.rel @p0 .LBB2_1-.Ltmp1, $3  }
0xcf: {  	_ =	sdelay $0x1  }
0xd0: {  	[sflag:s6] =	ssyncset.done $0x0  }
0xd1: {  	[sflag:s6] =	ssyncadd.s32 $0xFFFFC000  }
0xd2: {  	_ =	sfence.sel $0x180000  }
0xd3: {  	[bflag:$0x0] =	sbarrier.arrive $0xFFFF  }
0xd4: {  	_ =	strace $0x9000004A  }
0xd5: {  	s0 =	stileid.u32;
	[bflag:$0x2] =	sbarrier.arrive $0xFFFF  }
0xd6: {  	p0 =	sne.s32 s0, $0x0;
	s0 =	rddreg [dreg:$0x2]  }
0xd7: {  	s0 =	sadd.s32 @!p0 $0x100000, s0  }
0xd8: {  	[sflag:s0] =	ssyncadd.tile.s32 @!p0 $0x1;
	_ =	shalt  }
.Lfunc_end2:
_tile_overlayer_lowered:
.L_overlay_start_2:
0xd9: {  	(tag) =	ssettag $0x2  }
0xda: {  	s0 =	rddreg [dreg:$0x0];
	s2 =	stileid.u32  }
0xdb: {  	s1 =	rddreg [dreg:$0x1];
	p0 =	sne.s32 s2, $0x0  }
0xdc: {  	s3 =	rddreg [dreg:$0x2];
	[bflag:$0x3] =	sbarrier.arrive $0xFFFF;
	s2 =	simm.s32 @!p0 $0x1C02  }
0xdd: {  	[timem:s3], [sflag:s2] =	dma.local @!p0 [hbm:s0], s1  }
0xde: {  	s0 =	simm.s32 @!p0 $0x2  }
0xdf: {  	_ =	swait.ge @!p0 [sflag:s0], s1  }
0xe0: {  	s1 =	ssub.s32 @!p0 $0x0, s1;
	[sflag:s0] =	ssyncset.done @!p0 $0x0  }
0xe1: {  	[sflag:s0] =	ssyncadd.s32 @!p0 s1  }
0xe2: {  	[bflag:$0x3] =	sbarrier.arrive $0xFFFF  }
0xe3: {  	_ =	shalt  }

// kernel: sparse-core-data-format-call.1.cloned.1.call-start
scs
called_computation.1_lowered:
.L_overlay_start_0:
0x0: {  	s2 =	sld [smem:$0x3FD9]  }
0x1: {  	s3 =	sld [smem:$0x3FFE];
	_ =	sdelay $0x1  }
0x2: {  	s1 =	srdreg.scid  }
0x3: {  	s0 =	sand.u32 $0x1, s1  }
0x4: {  	s18 =	sshll.u32 s0, $0xA;
	s2 =	sadd.s32 s3, s2  }
0x5: {  	s2 =	sadd.s32 s2, s18  }
0x6: {  	[smem:$0x3FC7] =	sst s2  }
0x7: {  	_ = 	snop  }
0x8: {  	s2 =	sld [smem:$0x3FC9];
	(tm) =	ssettm $0x1  }
0x9: {  	s19 =	sld [smem:$0x3FFB];
	_ =	sdelay $0x3  }
0xa: {  	_ =	strace s19  }
0xb: {  	s3 =	sld [smem:$0x3FFC];
	_ =	sdelay $0x3  }
0xc: {  	_ =	strace s3  }
0xd: {  	s3 =	sld [smem:$0x3FFD];
	_ =	sdelay $0x3  }
0xe: {  	_ =	strace s3  }
0xf: {  	_ =	strace $0x8FFFFFFF  }
0x10: {  	s20 =	sld [smem:$0x3FDB];
	_ =	sdelay $0x1  }
0x11: {  	s4 =	simm.s32 $_scs_section_size  }
0x12: {  	s5 =	simm.s32 $_size__tile_overlayer_lowered;
	s6 =	simm.s32 $_tile_overlayer_lowered  }
0x13: {  	s23 =	simm.s32 $0x1BFF;
	s22 =	sshll.u32 s6, $0x1;
	s3 =	sadd.s32 s4, s20  }
0x14: {  	s7 =	simm.s32 $0x0;
	s21 =	sshll.u32 s5, $0x1;
	s5 =	sadd.s32 s22, s3  }
0x15: {  	[timem:s7], [sflag:s23] =	dma.local [hbm:s5], s21  }
0x16: {  	_ =	swait.ge [sflag:s23], s21  }
0x17: {  	s4 =	ssub.s32 $0x0, s21;
	[sflag:s23] =	ssyncset.done $0x0  }
0x18: {  	[sflag:s23] =	ssyncadd.s32 s4;
	_ =	sdelay $0x1  }
0x19: {  	s24 =	simm.s32 $0x1B8B  }
0x1a: {  	_ =	swait.ge [sflag:s24], $0x1  }
0x1b: {  	[sflag:s24] =	ssyncset.done $0x0  }
0x1c: {  	s26 =	simm.s32 $0x1B8E;
	s25 =	sld [smem:$0x3FFE];
	[sflag:s24] =	ssyncadd.s32 $0xFFFFFFFF  }
0x1d: {  	s27 =	simm.s32 $execute0_lowered;
	[smem:$0x3FD2] =	sst s26  }
0x1e: {  	s5 =	sshll.u32 s27, $0x1;
	_ =	strace $0x80000046;
	[dreg:$0x1] =	wrdreg $0xFFFFFFFF  }
0x1f: {  	s28 =	simm.s32 $_size_execute0_lowered;
	s3 =	sadd.s32 s3, s5;
	[dreg:$0x0] =	wrdreg $0x0  }
0x20: {  	s5 =	sshll.u32 s28, $0x1;
	[dreg:$0x2] =	wrdreg s3  }
0x21: {  	[dreg:$0x3] =	wrdreg s5  }
0x22: {  	[dreg:$0x4] =	wrdreg $0xC0  }
0x23: {  	_ =	task [dreg:s7], $0x5FFFF  }
0x24: {  	[dreg:$0x1] =	wrdreg $0xFFFFFFFF  }
0x25: {  	[dreg:$0x0] =	wrdreg $0x60  }
0x26: {  	[dreg:$0x2] =	wrdreg s2  }
0x27: {  	[dreg:$0x3] =	wrdreg s25  }
0x28: {  	[dreg:$0x4] =	wrdreg $0x9  }
0x29: {  	_ =	task.clear_ibuf [dreg:s7], $0x5FFFF;
	_ =	strace $0x90000046  }
0x2a: {  	s29 =	simm.s32 $0x9;
	_ =	strace $0x80000048  }
0x2b: {  	_ =	swait.ge [sflag:s29], $0x1  }
0x2c: {  	[sflag:s29] =	ssyncadd.s32 $0xFFFFFFFF  }
0x2d: {  	_ =	strace $0x90000048  }
0x2e: {  	_ =	sfence  }
0x2f: {  	s30 =	sld [smem:$0x0];
	_ =	sdelay $0x2  }
0x30: {  	s31 =	sshll.u32 s1, $0xD;
	s1 =	sshrl.u32 s1, $0x2  }
0x31: {  	s3 =	sand.u32 $0x4000, s31;
	s1 =	sadd.s32 s1, s30  }
0x32: {  	s0 =	sor.u32 s3, s0;
	s1 =	sshll.u32 s1, $0x11  }
0x33: {  	s0 =	sor.u32 s1, s0  }
0x34: {  	s0 =	sadd.s32 $0x8F2B, s0  }
0x35: {  	[sflag:s0] =	ssyncadd.remote.s32 $0x1  }
0x36: {  	_ =	sfence.sel $0xFFFF  }
0x37: {  	[dreg:$0x0] =	wrdreg $0xFFFFFFFF;
	(pc) =	sbr.abs _section_cstart, $3  }
0x38: {  	[dreg:$0x1] =	wrdreg $0xFFFFFFFF  }
0x39: {  	_ =	task.clear_ibuf [dreg:s7], $0x2FFFF;
	_ =	strace $0x9FFFFFFF  }
0x3a: {  	(tm) =	ssettm $0x7FFFFFFF  }
0x3b: {  	_ =	shalt  }
tec
execute0_lowered:
.L_overlay_start_1:
0x0: {  	(tag) =	ssettag $0x1  }
0x1: {  	s0 =	rddreg [dreg:$0x1];
	s1 =	srdreg.scid;
	_ =	strace $0x80000047  }
0x2: {  	s30 =	stileid.u32;
	s2 =	simm.s32 $0x1;
	s31 =	simm.s32 $0x2  }
0x3: {  	s21 =	simm.s32 $0x0;
	p0 =	por $0x0, $0x0;
	s9 =	simm.s32 $0x800  }
0x4: {  	s19 =	simm.s32 $0x0;
	s20 =	simm.s32 $0x0;
	s22 =	simm.s32 $0x0  }
0x5: {  	s10 =	simm.s32 $0x0;
	s11 =	simm.s32 $0x0;
	s13 =	simm.s32 $0x0  }
.Ltmp0:
0x6: {  	s14 =	simm.s32 $0x0;
	s15 =	simm.s32 $0x0;
	(pc) =	sbr.rel .LBB1_1-.Ltmp0, $4  }
0x7: {  	s16 =	simm.s32 $0x0;
	s0 =	sadd.s32 $0x1000, s0;
	s29 =	sshll.u32 s1, $0x4  }
0x8: {  	s17 =	simm.s32 $0x0;
	[dreg:$0x5] =	wrdreg s0;
	s0 =	sand.u32 $0x10, s29  }
0x9: {  	s12 =	simm.s32 $0x0;
	[sflag:s2] =	ssyncpa.u1 $0x0;
	s8 =	sor.u32 s30, s0  }
0xa: {  	[sflag:s31] =	ssyncpa.u1 $0x0;
	s18 =	smov.u32 s8;
	[dreg:$0x6] =	wrdreg s8  }
.LBB1_18:
0xb: {  	s13 =	rddreg [dreg:$0xa]  }
0xc: {  	s10 =	rddreg [dreg:$0x7]  }
0xd: {  	s2 =	rddreg [dreg:$0x15]  }
0xe: {  	s11 =	rddreg [dreg:$0x8]  }
0xf: {  	s20 =	rddreg [dreg:$0x16]  }
0x10: {  	s21 =	rddreg [dreg:$0x17]  }
0x11: {  	s23 =	rddreg [dreg:$0x14]  }
0x12: {  	s25 =	rddreg [dreg:$0x18]  }
0x13: {  	s14 =	rddreg [dreg:$0xb]  }
0x14: {  	s29 =	rddreg [dreg:$0x5]  }
0x15: {  	s8 =	rddreg [dreg:$0x6]  }
0x16: {  	s12 =	rddreg [dreg:$0x9]  }
0x17: {  	s15 =	rddreg [dreg:$0xc]  }
0x18: {  	s16 =	rddreg [dreg:$0xd]  }
0x19: {  	s17 =	rddreg [dreg:$0xe]  }
0x1a: {  	s18 =	rddreg [dreg:$0xf]  }
0x1b: {  	s9 =	simm.s32 $0x800;
	s19 =	rddreg [dreg:$0x10];
	p1 =	sgt.s32 s13, $0x7  }
0x1c: {  	s0 =	smov.u32 s13;
	s1 =	smov.u32 s10;
	p2 =	sgt.s32 s11, $0x80  }
0x1d: {  	s26 =	sand.u32 $0x78, s11;
	s4 =	sshll.u32 s11, $0x3;
	s5 =	sshll.u32 s13, $0x7  }
0x1e: {  	s28 =	smul.u32 $0xE000, s14;
	s6 =	sshll.u32 s10, $0x8;
	s30 =	sand.u32 $0x7, s11  }
0x1f: {  	s0 =	simm.s32 @!p1 $0x7;
	p1 =	sgt.s32 s10, $0x60;
	s27 =	sand.u32 $0x400, s4  }
0x20: {  	s5 =	sand.u32 $0x380, s5;
	s4 =	sshll.u32 s30, $0x12;
	s0 =	sadd.s32 s2, s0  }
0x21: {  	s2 =	smov.u32 s11;
	s1 =	simm.s32 @!p1 $0x60;
	s31 =	sor.u32 $0x80, s4  }
0x22: {  	s3 =	sadd.s32 $0xFFFFFFF9, s0;
	s2 =	simm.s32 @!p2 $0x80;
	s0 =	ssub.s32 $0x8, s0  }
0x23: {  	s1 =	sadd.s32 s21, s1;
	p1 =	sgt.s32 s3, $0x0;
	s2 =	sadd.s32 s20, s2  }
0x24: {  	s21 =	rddreg [dreg:$0x12];
	s0 =	simm.s32 @p1 $0x0;
	s22 =	sadd.s32 $0xFFFFFF80, s2  }
0x25: {  	s2 =	ssub.s32 $0x100, s2;
	p1 =	sgt.s32 s22, $0x7F;
	s0 =	smul.u32 s23, s0  }
0x26: {  	s24 =	sadd.s32 $0xFFFFFFA0, s1;
	s1 =	ssub.s32 $0xE0, s1;
	s2 =	simm.s32 @p1 $0x0  }
0x27: {  	s3 =	sor.u32 s26, s5;
	p1 =	sgt.s32 s24, $0x7F;
	s0 =	smul.u32 s2, s0  }
0x28: {  	s20 =	rddreg [dreg:$0x11];
	s2 =	smul.u32 $0x4080, s25;
	s1 =	simm.s32 @p1 $0x0  }
0x29: {  	s0 =	smul.u32 s1, s0;
	s1 =	sor.u32 s27, s3;
	s3 =	sadd.s32 s29, s28  }
0x2a: {  	s22 =	rddreg [dreg:$0x13];
	s1 =	sshrl.u32 s1, $0x3;
	s3 =	sadd.s32 s6, s3  }
0x2b: {  	s2 =	sor.u32 $0x8000, s2;
	s0 =	sand.u32 $0x3FFFFFFF, s0;
	s1 =	sadd.s32 s1, s3  }
0x2c: {  	[hbm4b:s1+s31] =	stream.strided.scatter [tilespmem:s2], [sflag:$0x2], s0, s9, s31, $0x20;
	[tilespmem:$0x10100] =	vst v63  }
.LBB1_19:
0x2d: {  	p1 =	slt.u32 s12, $0x2;
	s0 =	smov.u32 s22  }
0x2e: {  	s12 =	sadd.s32 $0x1, s12;
	p0 =	por !p0, !p0;
	p2 =	sgt.s32 @!p1 s22, $0x3F  }
0x2f: {  	s1 =	sshra.s32 @!p1 s22, $0x1F;
	s2 =	sshra.s32 @!p1 s21, $0x1F;
	p4 =	sgt.s32 @!p1 s20, $0x7  }
0x30: {  	s4 =	sshra.s32 @!p1 s19, $0x1F;
	p2 =	por !p2, p1;
	s1 =	sand.u32 @!p1 s1, s22  }
0x31: {  	s2 =	sand.u32 @!p1 s2, s21;
	s0 =	simm.s32 @p2 $0x3F;
	p2 =	sgt.s32 @!p1 s21, $0x60  }
0x32: {  	s0 =	ssub.s32 @!p1 s0, s1;
	p2 =	por !p2, p1;
	s1 =	smov.u32 s21  }
0x33: {  	p4 =	por !p4, p1;
	s4 =	sand.u32 @!p1 s4, s19;
	s1 =	simm.s32 @p2 $0x60  }
0x34: {  	s3 =	sadd.s32 @!p1 $0xFFFFFFC1, s0;
	s0 =	ssub.s32 @!p1 $0x40, s0;
	s1 =	ssub.s32 @!p1 s1, s2  }
0x35: {  	p2 =	sgt.s32 @!p1 s3, $0x0;
	s3 =	sshra.s32 @!p1 s20, $0x1F;
	s2 =	sadd.s32 @!p1 $0xFFFFFFA0, s1  }
0x36: {  	p3 =	por !p2, p1;
	p2 =	sgt.s32 @!p1 s2, $0x7F;
	s2 =	smov.u32 s20  }
0x37: {  	s3 =	sand.u32 @!p1 s3, s20;
	s2 =	simm.s32 @p4 $0x7;
	p4 =	sgt.s32 @!p1 s19, $0x80  }
0x38: {  	s2 =	ssub.s32 @!p1 s2, s3;
	p4 =	por !p4, p1;
	s3 =	smov.u32 s19  }
0x39: {  	s1 =	ssub.s32 @!p1 $0xE0, s1;
	s5 =	sadd.s32 @!p1 $0xFFFFFFF9, s2;
	s3 =	simm.s32 @p4 $0x80  }
0x3a: {  	s0 =	simm.s32 @!p3 $0x0;
	p3 =	sgt.s32 @!p1 s5, $0x0;
	s3 =	ssub.s32 @!p1 s3, s4  }
0x3b: {  	s2 =	ssub.s32 @!p1 $0x8, s2;
	p3 =	por !p3, p1;
	s4 =	sadd.s32 @!p1 $0xFFFFFF80, s3  }
0x3c: {  	s5 =	smov.u32 s16;
	s2 =	simm.s32 @!p3 $0x0;
	p3 =	sgt.s32 @!p1 s4, $0x7F  }
0x3d: {  	s3 =	ssub.s32 @!p1 $0x100, s3;
	s4 =	sadd.s32 $0x80, s15;
	p3 =	por !p3, p1  }
0x3e: {  	s0 =	smul.u32 @!p1 s0, s2;
	p4 =	sgt.s32 s4, $0xDF;
	s2 =	sadd.s32 $0x80, s16  }
0x3f: {  	p2 =	por !p2, p1;
	s3 =	simm.s32 @!p3 $0x0;
	s5 =	smov.u32 @p4 s2  }
0x40: {  	s2 =	simm.s32 $0x1;
	s0 =	smul.u32 @!p1 s3, s0;
	p3 =	sgt.s32 s5, $0xDF  }
0x41: {  	s22 =	smov.u32 s14;
	s1 =	simm.s32 @!p2 $0x0;
	s2 =	simm.s32 @!p3 $0x0  }
0x42: {  	s14 =	smov.u32 s18;
	s0 =	smul.u32 @!p1 s1, s0;
	s1 =	sadd.s32 s2, s17  }
0x43: {  	s3 =	smov.u32 s18;
	s2 =	sadd.s32 $0x20, s18;
	p2 =	sgt.s32 s1, $0x4  }
0x44: {  	s21 =	smov.u32 s10;
	s10 =	smov.u32 s15;
	s3 =	smov.u32 @p2 s2  }
0x45: {  	s20 =	smov.u32 s13;
	s1 =	simm.s32 @p2 $0x0;
	p2 =	sgt.s32 s3, $0x3F  }
0x46: {  	s13 =	smov.u32 s17;
	s3 =	smov.u32 @p2 s8;
	p2 =	sne.s32 s12, $0x2A  }
.Ltmp1:
0x47: {  	s19 =	smov.u32 s11;
	s11 =	smov.u32 s16;
	(pc) =	sbr.rel @!p2 .LBB1_20-.Ltmp1, $4  }
0x48: {  	s4 =	simm.s32 @p4 $0x0;
	s0 =	sand.u32 @!p1 $0x3FFFFFFF, s0;
	s2 =	simm.s32 @!p1 $0x2  }
0x49: {  	s15 =	smov.u32 s4;
	s5 =	simm.s32 @p3 $0x0;
	_ =	swait.ge @!p1 [sflag:s2], s0  }
0x4a: {  	s16 =	smov.u32 s5;
	s0 =	ssub.s32 @!p1 $0x0, s0;
	[sflag:s2] =	ssyncset.done @!p1 $0x0  }
0x4b: {  	s17 =	smov.u32 s1;
	[sflag:s2] =	ssyncadd.s32 @!p1 s0;
	s18 =	smov.u32 s3  }
.LBB1_1:
0x4c: {  	p1 =	sgt.u32 s12, $0x27  }
.Ltmp2:
0x4d: {  	_ = 	snop;
	(pc) =	sbr.rel @p1 .LBB1_3-.Ltmp2, $1  }
0x4e: {  	_ =	sdelay $0x3  }
0x4f: {  	s0 =	sand.u32 $0x78, s15;
	s1 =	sshll.u32 s16, $0x8  }
0x50: {  	s2 =	sshll.u32 s15, $0x3;
	s3 =	sshll.u32 s16, $0x7;
	p1 =	sgt.s32 s18, $0x3F  }
0x51: {  	s26 =	sshra.s32 s18, $0x1F;
	s4 =	smov.u32 s17;
	s5 =	sshra.s32 s17, $0x1F  }
0x52: {  	s29 =	sshra.s32 s16, $0x1F;
	s31 =	sshra.s32 s15, $0x1F;
	s23 =	sxor.u32 $0xFFFFFFFF, s12  }
0x53: {  	s1 =	sand.u32 $0xFFFFF800, s1;
	s2 =	sand.u32 $0xFFFFFC00, s2;
	s25 =	sand.u32 $0x300, s3  }
0x54: {  	s3 =	sand.u32 $0x80, s3;
	s27 =	sand.u32 s5, s17;
	s30 =	sand.u32 s29, s16  }
0x55: {  	s29 =	sand.u32 $0x7, s15;
	s1 =	sadd.s32 s1, s2;
	s0 =	sor.u32 s0, s3  }
0x56: {  	s2 =	smov.u32 s18;
	s3 =	sand.u32 s26, s18;
	s26 =	smul.u32 $0x1C00, s17  }
0x57: {  	s1 =	sor.u32 s25, s1;
	s2 =	simm.s32 @!p1 $0x3F;
	p1 =	sgt.s32 s17, $0x4  }
0x58: {  	s25 =	smul.u32 $0x8C00, s18;
	s0 =	sshrl.u32 s0, $0x3;
	s1 =	sshrl.u32 s1, $0x8  }
0x59: {  	s2 =	ssub.s32 s2, s3;
	s4 =	simm.s32 @!p1 $0x4;
	s28 =	smulhi.u32 $0x124924A, s1  }
0x5a: {  	s6 =	sadd.s32 $0xFFFFFFC1, s2;
	s3 =	ssub.s32 s4, s27;
	s2 =	ssub.s32 $0x40, s2  }
0x5b: {  	p1 =	sgt.s32 s6, $0x0;
	s4 =	sadd.s32 $0xFFFFFFFC, s3;
	s3 =	ssub.s32 $0x5, s3  }
0x5c: {  	s2 =	simm.s32 @p1 $0x0;
	p1 =	sgt.s32 s4, $0x0;
	s4 =	smov.u32 s16  }
0x5d: {  	s5 =	smul.u32 $0xE0, s28;
	s3 =	simm.s32 @p1 $0x0;
	p1 =	sgt.s32 s16, $0x60  }
0x5e: {  	s6 =	sand.u32 s31, s15;
	s2 =	smul.u32 s2, s3;
	s4 =	simm.s32 @!p1 $0x60  }
0x5f: {  	p1 =	sgt.s32 s15, $0x80;
	s3 =	ssub.s32 s4, s30;
	s4 =	smov.u32 s15  }
0x60: {  	s28 =	rddreg [dreg:$0x0];
	s7 =	sadd.s32 $0xFFFFFFA0, s3;
	s4 =	simm.s32 @!p1 $0x80  }
0x61: {  	s3 =	ssub.s32 $0xE0, s3;
	p1 =	sgt.s32 s7, $0x7F;
	s4 =	ssub.s32 s4, s6  }
0x62: {  	s1 =	ssub.s32 s1, s5;
	s3 =	simm.s32 @p1 $0x0;
	s24 =	sadd.s32 $0xFFFFFF80, s4  }
0x63: {  	s2 =	smul.u32 s3, s2;
	p1 =	sgt.s32 s24, $0x7F;
	s3 =	ssub.s32 $0x100, s4  }
0x64: {  	s1 =	sshll.u32 s1, $0x5;
	s4 =	sadd.s32 s28, s25;
	s3 =	simm.s32 @p1 $0x0  }
0x65: {  	s30 =	sshll.u32 s29, $0x12;
	s4 =	sadd.s32 s26, s4;
	s2 =	smul.u32 s3, s2  }
0x66: {  	s31 =	sor.u32 $0x400, s30;
	s6 =	sshll.u32 s23, $0xE;
	s0 =	sadd.s32 s0, s4  }
0x67: {  	s27 =	sand.u32 $0x4000, s6;
	s0 =	sadd.s32 s1, s0;
	s2 =	sand.u32 $0x3FFFFFFF, s2  }
0x68: {  	[tilespmem:s27], [sflag:$0x1] =	stream.strided.gather [hbm4b:s0+s31], s2, s9, s31, $0x38;
	[tilespmem:$0x10100] =	vst v63  }
.LBB1_3:
0x69: {  	p1 =	seq.s32 s12, $0x0  }
0x6a: {  	p2 =	seq.s32 @!p1 s12, $0x29  }
0x6b: {  	p1 =	por p1, p2  }
.Ltmp3:
0x6c: {  	_ = 	snop;
	(pc) =	sbr.rel @p1 .LBB1_19-.Ltmp3, $1  }
0x6d: {  	_ =	sdelay $0x3  }
0x6e: {  	[dreg:$0x13] =	wrdreg s22  }
0x6f: {  	[dreg:$0x12] =	wrdreg s21  }
0x70: {  	[dreg:$0x11] =	wrdreg s20  }
0x71: {  	[dreg:$0x10] =	wrdreg s19  }
0x72: {  	[dreg:$0xf] =	wrdreg s18  }
0x73: {  	[dreg:$0xe] =	wrdreg s17  }
0x74: {  	[dreg:$0xd] =	wrdreg s16  }
0x75: {  	[dreg:$0xc] =	wrdreg s15;
	p1 =	sgt.s32 s14, $0x3F  }
0x76: {  	s0 =	smov.u32 s14;
	s1 =	sshra.s32 s14, $0x1F;
	s21 =	ssub.s32 $0x0, s13  }
0x77: {  	s2 =	sshra.s32 s13, $0x1F;
	s3 =	smov.u32 s13;
	s23 =	ssub.s32 $0x0, s11  }
0x78: {  	s24 =	sshra.s32 s11, $0x1F;
	p2 =	sgt.s32 s11, $0x60;
	s27 =	ssub.s32 $0x0, s10  }
0x79: {  	s28 =	sshra.s32 s10, $0x1F;
	s0 =	simm.s32 @!p1 $0x3F;
	s1 =	sand.u32 s1, s14  }
0x7a: {  	p1 =	sgt.s32 s13, $0x4;
	s0 =	ssub.s32 s0, s1;
	s1 =	sand.u32 s21, s2  }
0x7b: {  	s3 =	simm.s32 @!p1 $0x4;
	s2 =	sand.u32 s27, s28;
	s4 =	sadd.s32 $0xFFFFFFC1, s0  }
0x7c: {  	s5 =	ssub.s32 $0x40, s0;
	[dreg:$0x15] =	wrdreg s1;
	s22 =	sadd.s32 s1, s3  }
0x7d: {  	s3 =	smov.u32 s11;
	s1 =	sand.u32 s23, s24;
	p1 =	sgt.s32 s4, $0x0  }
0x7e: {  	s25 =	sadd.s32 $0xFFFFFFFC, s22;
	s3 =	simm.s32 @!p2 $0x60;
	s0 =	ssub.s32 $0x5, s22  }
0x7f: {  	[dreg:$0x16] =	wrdreg s1;
	s4 =	smov.u32 s10;
	p2 =	sgt.s32 s25, $0x0  }
0x80: {  	s1 =	sadd.s32 s1, s3;
	s5 =	simm.s32 @p1 $0x0;
	s0 =	simm.s32 @p2 $0x0  }
0x81: {  	s26 =	sadd.s32 $0xFFFFFFA0, s1;
	p2 =	sgt.s32 s10, $0x80;
	s1 =	ssub.s32 $0xE0, s1  }
0x82: {  	s0 =	smul.u32 s5, s0;
	p1 =	sgt.s32 s26, $0x7F;
	s4 =	simm.s32 @!p2 $0x80  }
0x83: {  	[dreg:$0x17] =	wrdreg s2;
	s1 =	simm.s32 @p1 $0x0;
	s2 =	sadd.s32 s2, s4  }
0x84: {  	[dreg:$0x7] =	wrdreg s10;
	s0 =	smul.u32 s1, s0;
	s29 =	sadd.s32 $0xFFFFFF80, s2  }
0x85: {  	s1 =	ssub.s32 $0x100, s2;
	s2 =	sadd.s32 $0x1, s14;
	p1 =	sgt.s32 s29, $0x7F  }
0x86: {  	s3 =	sadd.s32 $0x1, s13;
	s1 =	simm.s32 @p1 $0x0;
	p1 =	slt.s32 s2, $0x40  }
0x87: {  	s0 =	smul.u32 s1, s0;
	s2 =	simm.s32 @!p1 $0x40;
	p1 =	slt.s32 s3, $0x5  }
0x88: {  	s1 =	sadd.s32 $0x80, s11;
	s2 =	ssub.s32 s2, s14;
	s3 =	simm.s32 @!p1 $0x5  }
0x89: {  	p2 =	slt.s32 s1, $0xE0;
	s3 =	ssub.s32 s3, s13;
	p1 =	slt.s32 s2, $0x1  }
0x8a: {  	[dreg:$0xb] =	wrdreg s14;
	s1 =	simm.s32 @!p2 $0xE0;
	p2 =	slt.s32 @!p1 s3, $0x1  }
0x8b: {  	[dreg:$0xa] =	wrdreg s13;
	s6 =	ssub.s32 s1, s11;
	p2 =	por p1, p2  }
0x8c: {  	[dreg:$0x8] =	wrdreg s11;
	p3 =	slt.s32 @!p2 s6, $0x1  }
0x8d: {  	[dreg:$0x14] =	wrdreg s5;
	p2 =	por p2, p3  }
.Ltmp4:
0x8e: {  	[dreg:$0x19] =	wrdreg s2;
	(pc) =	sbr.rel @p2 .LBB1_18-.Ltmp4, $4  }
0x8f: {  	s30 =	simm.s32 $0x1;
	s0 =	sand.u32 $0x3FFFFFFF, s0;
	[dreg:$0x1a] =	wrdreg s3  }
0x90: {  	s31 =	sand.u32 $0x1, s12;
	_ =	swait.ge [sflag:s30], s0  }
0x91: {  	s0 =	ssub.s32 $0x0, s0;
	[dreg:$0x9] =	wrdreg s12;
	[sflag:s30] =	ssyncset.done $0x0  }
0x92: {  	[dreg:$0x18] =	wrdreg s31;
	[sflag:s30] =	ssyncadd.s32 s0  }
0x93: {  	s0 =	simm.s32 $0x1  }
0x94: {  	s0 =	simm.s32 @!p0 $0x0  }
0x95: {  	s0 =	smul.u32 $0x10200, s0  }
0x96: {  	s3 =	rddreg [dreg:$0x7]  }
0x97: {  	s31 =	simm.s32 $0x0;
	[dreg:$0x1b] =	wrdreg s6;
	s1 =	sshrl.u32 s0, $0x2  }
0x98: {  	[smem:$0x7FC] =	sst s31;
	s4 =	sadd.s32 $0xF8F0, s1  }
0x99: {  	s15 =	sadd.s32 $0xF0E0, s1;
	[dreg:$0x1c] =	wrdreg s4  }
0x9a: {  	s16 =	sadd.s32 $0xE8D0, s1;
	[dreg:$0x1d] =	wrdreg s15  }
0x9b: {  	s17 =	sadd.s32 $0xE0C0, s1;
	[dreg:$0x1e] =	wrdreg s16  }
0x9c: {  	s18 =	sadd.s32 $0xD8B0, s1;
	[dreg:$0x1f] =	wrdreg s17  }
0x9d: {  	s19 =	sadd.s32 $0xD0A0, s1;
	[smem:$0x7ED] =	sst s18  }
0x9e: {  	s20 =	sadd.s32 $0xC890, s1;
	[smem:$0x7EE] =	sst s19  }
0x9f: {  	s21 =	sadd.s32 $0xC080, s1;
	[smem:$0x7EF] =	sst s20  }
0xa0: {  	s22 =	sadd.s32 $0xB870, s1;
	[smem:$0x7F0] =	sst s21  }
0xa1: {  	s24 =	sadd.s32 $0xB060, s1;
	[smem:$0x7F1] =	sst s22  }
0xa2: {  	s25 =	sadd.s32 $0xA850, s1;
	[smem:$0x7F2] =	sst s24  }
0xa3: {  	s2 =	sadd.s32 $0x80, s3;
	s5 =	sadd.s32 $0xA040, s1;
	[smem:$0x7F3] =	sst s25  }
0xa4: {  	p2 =	slt.s32 s2, $0xE0;
	s27 =	sadd.s32 $0x9830, s1;
	[smem:$0x7F4] =	sst s5  }
0xa5: {  	s2 =	simm.s32 @!p2 $0xE0;
	s28 =	sadd.s32 $0x9020, s1;
	[smem:$0x7F5] =	sst s27  }
0xa6: {  	s2 =	ssub.s32 s2, s3;
	s29 =	sadd.s32 $0x8810, s1;
	[smem:$0x7F6] =	sst s28  }
0xa7: {  	s2 =	sadd.s32 $0xF, s2;
	s1 =	sor.u32 $0x8000, s1;
	[smem:$0x7F7] =	sst s29  }
0xa8: {  	s23 =	sshrl.u32 s2, $0x8;
	[smem:$0x7F8] =	sst s1  }
0xa9: {  	s7 =	sand.u32 $0xFFFFFFF0, s2;
	s1 =	rddreg [dreg:$0x18];
	s26 =	smul.u32 $0x20400, s23  }
.Ltmp5:
0xaa: {  	s8 =	sand.u32 @!p1 $0xFFFFFF00, s2;
	[smem:$0x7FD] =	sst s7;
	(pc) =	sbr.rel .LBB1_6-.Ltmp5, $4  }
0xab: {  	s1 =	sshll.u32 @!p1 s1, $0xE;
	[dreg:$0x4] =	wrdreg s8;
	s0 =	sadd.s32 s0, s26  }
0xac: {  	s30 =	sshll.u32 s23, $0xB;
	[smem:$0x7F9] =	sst s1;
	s0 =	sshra.s32 s0, $0x2  }
0xad: {  	[smem:$0x7FB] =	sst s30;
	s0 =	sadd.s32 $0x8000, s0  }
0xae: {  	p1 =	slt.s32 s2, $0x100;
	p2 =	sge.s32 s8, s7;
	[smem:$0x7FA] =	sst s0  }
.LBB1_17:
0xaf: {  	s1 =	sld [smem:$0x7FC]  }
0xb0: {  	s0 =	rddreg [dreg:$0x1c]  }
0xb1: {  	s15 =	rddreg [dreg:$0x1d]  }
0xb2: {  	s16 =	rddreg [dreg:$0x1e]  }
0xb3: {  	s17 =	rddreg [dreg:$0x1f]  }
0xb4: {  	s18 =	sld [smem:$0x7ED]  }
0xb5: {  	s19 =	sld [smem:$0x7EE]  }
0xb6: {  	s20 =	sld [smem:$0x7EF]  }
0xb7: {  	s21 =	sld [smem:$0x7F0]  }
0xb8: {  	s22 =	sld [smem:$0x7F1]  }
0xb9: {  	s23 =	sld [smem:$0x7F2]  }
0xba: {  	s24 =	sld [smem:$0x7F3]  }
0xbb: {  	s25 =	sld [smem:$0x7F4]  }
0xbc: {  	s26 =	sld [smem:$0x7F5]  }
0xbd: {  	s27 =	sld [smem:$0x7F6]  }
0xbe: {  	s28 =	rddreg [dreg:$0x19]  }
0xbf: {  	s29 =	sld [smem:$0x7F7]  }
0xc0: {  	s30 =	sld [smem:$0x7F8]  }
0xc1: {  	s31 =	sld [smem:$0x7FA];
	s0 =	sadd.s32 $0x4080, s0  }
0xc2: {  	[dreg:$0x1c] =	wrdreg s0;
	s0 =	sadd.s32 $0x4080, s15  }
0xc3: {  	[dreg:$0x1d] =	wrdreg s0;
	s0 =	sadd.s32 $0x4080, s16  }
0xc4: {  	s1 =	sadd.s32 $0x1, s1;
	[dreg:$0x1e] =	wrdreg s0  }
0xc5: {  	s0 =	sadd.s32 $0x4080, s17;
	[smem:$0x7FC] =	sst s1  }
0xc6: {  	[dreg:$0x1f] =	wrdreg s0;
	s0 =	sadd.s32 $0x4080, s18  }
0xc7: {  	[smem:$0x7ED] =	sst s0;
	s0 =	sadd.s32 $0x4080, s19  }
0xc8: {  	[smem:$0x7EE] =	sst s0;
	s0 =	sadd.s32 $0x4080, s20  }
0xc9: {  	[smem:$0x7EF] =	sst s0;
	s0 =	sadd.s32 $0x4080, s21  }
0xca: {  	[smem:$0x7F0] =	sst s0;
	s0 =	sadd.s32 $0x4080, s22  }
0xcb: {  	[smem:$0x7F1] =	sst s0;
	s0 =	sadd.s32 $0x4080, s23  }
0xcc: {  	[smem:$0x7F2] =	sst s0;
	s0 =	sadd.s32 $0x4080, s24  }
0xcd: {  	[smem:$0x7F3] =	sst s0;
	s0 =	sadd.s32 $0x4080, s25  }
0xce: {  	p3 =	sne.s32 s1, s28;
	[smem:$0x7F4] =	sst s0;
	s0 =	sadd.s32 $0x4080, s26  }
.Ltmp6:
0xcf: {  	[smem:$0x7F5] =	sst s0;
	s0 =	sadd.s32 $0x4080, s27;
	(pc) =	sbr.rel @!p3 .LBB1_18-.Ltmp6, $4  }
0xd0: {  	[smem:$0x7F6] =	sst s0;
	s0 =	sadd.s32 $0x4080, s29  }
0xd1: {  	[smem:$0x7F7] =	sst s0;
	s0 =	sadd.s32 $0x4080, s30  }
0xd2: {  	[smem:$0x7F8] =	sst s0;
	s0 =	sadd.s32 $0x4080, s31  }
0xd3: {  	[smem:$0x7FA] =	sst s0  }
.LBB1_6:
.Ltmp7:
0xd4: {  	(pc) =	sbr.rel .LBB1_7-.Ltmp7, $2  }
0xd5: {  	_ =	sdelay $0x2  }
0xd6: {  	s0 =	simm.s32 $0x0;
	s2 =	simm.s32 $0x0  }
.LBB1_16:
0xd7: {  	s2 =	sld [smem:$0x7E5];
	_ =	sdelay $0x2  }
0xd8: {  	s0 =	rddreg [dreg:$0x1a];
	s2 =	sadd.s32 $0x1, s2  }
0xd9: {  	p3 =	sne.s32 s2, s0  }
.Ltmp8:
0xda: {  	_ = 	snop;
	(pc) =	sbr.rel @!p3 .LBB1_17-.Ltmp8, $2  }
0xdb: {  	s31 =	sld [smem:$0x7D9];
	_ =	sdelay $0x2  }
0xdc: {  	s0 =	sadd.s32 $0x1, s31  }
.LBB1_7:
0xdd: {  	[smem:$0x7D9] =	sst s0  }
0xde: {  	s1 =	rddreg [dreg:$0x1c]  }
0xdf: {  	s14 =	rddreg [dreg:$0x1d]  }
0xe0: {  	s15 =	rddreg [dreg:$0x1e]  }
0xe1: {  	s16 =	rddreg [dreg:$0x1f]  }
0xe2: {  	s17 =	sld [smem:$0x7ED]  }
0xe3: {  	s18 =	sld [smem:$0x7EE]  }
0xe4: {  	s19 =	sld [smem:$0x7EF]  }
0xe5: {  	s20 =	sld [smem:$0x7F0]  }
0xe6: {  	s21 =	sld [smem:$0x7F1]  }
0xe7: {  	s22 =	sld [smem:$0x7F2]  }
0xe8: {  	s23 =	sld [smem:$0x7F3]  }
0xe9: {  	s24 =	sld [smem:$0x7FC]  }
0xea: {  	[smem:$0x7E5] =	sst s2  }
0xeb: {  	s25 =	sld [smem:$0x7F4]  }
0xec: {  	s26 =	sld [smem:$0x7F5]  }
0xed: {  	s13 =	sand.u32 $0x7, s0;
	s27 =	sld [smem:$0x7F6]  }
0xee: {  	s28 =	sld [smem:$0x7F7];
	s0 =	smul.u32 $0x204, s13  }
0xef: {  	s29 =	sld [smem:$0x7F8]  }
0xf0: {  	s30 =	sld [smem:$0x7F9];
	s0 =	sshrl.u32 s0, $0x2  }
0xf1: {  	s31 =	sld [smem:$0x7FA];
	s1 =	sadd.s32 s0, s1  }
0xf2: {  	[smem:$0x7DA] =	sst s1;
	s1 =	sadd.s32 s0, s14  }
0xf3: {  	[smem:$0x7DB] =	sst s1;
	s1 =	sadd.s32 s0, s15  }
0xf4: {  	[smem:$0x7DC] =	sst s1;
	s1 =	sadd.s32 s0, s16  }
0xf5: {  	[smem:$0x7DD] =	sst s1;
	s1 =	sadd.s32 s0, s17  }
0xf6: {  	[smem:$0x7DE] =	sst s1;
	s1 =	sadd.s32 s0, s18  }
0xf7: {  	[smem:$0x7DF] =	sst s1;
	s1 =	sadd.s32 s0, s19  }
0xf8: {  	[smem:$0x7E0] =	sst s1;
	s1 =	sadd.s32 s0, s20  }
0xf9: {  	[smem:$0x7E1] =	sst s1;
	s1 =	sadd.s32 s0, s21  }
0xfa: {  	[smem:$0x7E2] =	sst s1;
	s1 =	sadd.s32 s0, s22  }
0xfb: {  	[smem:$0x7E3] =	sst s1;
	s1 =	sadd.s32 s0, s23  }
0xfc: {  	[smem:$0x7E4] =	sst s1;
	s1 =	sadd.s32 s24, s2;
	s2 =	sadd.s32 s0, s25  }
0xfd: {  	[smem:$0x7E6] =	sst s2;
	s2 =	sadd.s32 s0, s26;
	s1 =	sshll.u32 s1, $0x10  }
0xfe: {  	[smem:$0x7E7] =	sst s2;
	s2 =	sadd.s32 s0, s27;
	s1 =	sshra.s32 s1, $0x2  }
.Ltmp9:
0xff: {  	[smem:$0x7E8] =	sst s2;
	s2 =	sadd.s32 s0, s28;
	(pc) =	sbr.rel .LBB1_8-.Ltmp9, $4  }
0x100: {  	s9 =	sadd.s32 s1, s30;
	[smem:$0x7E9] =	sst s2  }
0x101: {  	s2 =	sadd.s32 s0, s29;
	[smem:$0x7EC] =	sst s9  }
0x102: {  	s10 =	simm.s32 $0x0;
	s0 =	sadd.s32 s0, s31;
	[smem:$0x7EA] =	sst s2  }
0x103: {  	s11 =	simm.s32 $0x0;
	s12 =	simm.s32 $0x0;
	[smem:$0x7EB] =	sst s0  }
.LBB1_15:
0x104: {  	s12 =	sadd.s32 $0x1, s12  }
0x105: {  	p3 =	sne.s32 s12, s6  }
.Ltmp10:
0x106: {  	_ = 	snop;
	(pc) =	sbr.rel @!p3 .LBB1_16-.Ltmp10, $2  }
0x107: {  	_ =	sdelay $0x2  }
0x108: {  	s11 =	sadd.s32 $0x80, s11;
	s10 =	sadd.s32 $0x1, s10  }
.LBB1_8:
.Ltmp11:
0x109: {  	(pc) =	sbr.rel @p1 .LBB1_12-.Ltmp11, $2  }
0x10a: {  	_ =	sdelay $0x2  }
0x10b: {  	s2 =	sand.u32 $0x7F, s10;
	s22 =	sshll.u32 s12, $0x7  }
0x10c: {  	[smem:$0x7D6] =	sst s12  }
0x10d: {  	[smem:$0x7D7] =	sst s10;
	s0 =	sand.u32 $0x380, s22  }
0x10e: {  	[smem:$0x7D8] =	sst s2;
	s23 =	sadd.s32 s0, s9  }
0x10f: {  	s1 =	sshll.u32 s2, $0x2;
	s25 =	simm.s32 $0x480;
	s26 =	simm.s32 $0x700;
	v0 =	vmov s23  }
0x110: {  	s3 =	simm.s32 $0x500;
	s4 =	simm.s32 $0x580;
	s5 =	simm.s32 $0x600  }
0x111: {  	s6 =	simm.s32 $0x680;
	s15 =	sld [smem:$0x7DB];
	s2 =	sand.u32 $0x3C00, s26  }
0x112: {  	s20 =	sshrl.u32 s1, $0x2;
	s1 =	sand.u32 $0x3C00, s25;
	s2 =	sadd.s32 s22, s2  }
0x113: {  	s4 =	sand.u32 $0x3C00, s4;
	s1 =	sadd.s32 s22, s1;
	s2 =	sand.u32 $0x3C00, s2  }
0x114: {  	s3 =	sand.u32 $0x3C00, s3;
	s4 =	sadd.s32 s22, s4;
	s1 =	sand.u32 $0x3C00, s1;
	v1 =	vld.idx.msk [tilespmem:v0+s2+$0x60 ss:$0x1], $0xffff  }
0x115: {  	s7 =	sand.u32 $0x3C00, s5;
	s3 =	sadd.s32 s22, s3;
	s4 =	sand.u32 $0x3C00, s4;
	v2 =	vld.idx.msk [tilespmem:v0+s1+$0x10 ss:$0x1], $0xffff  }
0x116: {  	s9 =	sand.u32 $0x3C00, s6;
	s2 =	sand.u32 $0x3C00, s3;
	s3 =	sadd.s32 s22, s7;
	v4 =	vld.idx.msk [tilespmem:v0+s4+$0x30 ss:$0x1], $0xffff  }
0x117: {  	s1 =	sadd.s32 s22, s9;
	v3 =	vld.idx.msk [tilespmem:v0+s2+$0x20 ss:$0x1], $0xffff;
	s3 =	sand.u32 $0x3C00, s3  }
0x118: {  	s1 =	sand.u32 $0x3C00, s1;
	v5 =	vld.idx.msk [tilespmem:v0+s3+$0x40 ss:$0x1], $0xffff  }
0x119: {  	s13 =	sadd.s32 s20, s15;
	v6 =	vld.idx.msk [tilespmem:v0+s1+$0x50 ss:$0x1], $0xffff;
	[dreg:$0x3] =	wrdreg s11  }
0x11a: {  	[tilespmem:s13+$0x0 ss:$0x81] =	vst.msk $0xffff, v1  }
0x11b: {  	s26 =	sld [smem:$0x7E0];
	_ =	sdelay $0x2  }
0x11c: {  	s14 =	sadd.s32 s20, s26  }
0x11d: {  	[tilespmem:s14+$0x0 ss:$0x81] =	vst.msk $0xffff, v2  }
0x11e: {  	s25 =	sld [smem:$0x7DF];
	_ =	sdelay $0x2  }
0x11f: {  	s16 =	sadd.s32 s20, s25  }
0x120: {  	[tilespmem:s16+$0x0 ss:$0x81] =	vst.msk $0xffff, v3  }
0x121: {  	s9 =	sld [smem:$0x7DE];
	_ =	sdelay $0x2  }
0x122: {  	s17 =	sadd.s32 s20, s9  }
0x123: {  	[tilespmem:s17+$0x0 ss:$0x81] =	vst.msk $0xffff, v4  }
0x124: {  	s10 =	sadd.s32 $0x780, s11;
	p3 =	sgt.s32 s8, $0x100;
	s8 =	sld [smem:$0x7DD]  }
0x125: {  	s12 =	sadd.s32 $0xFFFFF880, s10  }
0x126: {  	s4 =	sand.u32 $0x3C00, s12  }
0x127: {  	s2 =	sadd.s32 $0xFFFFFC80, s10;
	v7 =	vld.idx.msk [tilespmem:v0+s4+$0x0 ss:$0x1], $0xffff;
	s1 =	sld [smem:$0x7EA];
	s18 =	sadd.s32 s20, s8  }
0x128: {  	s14 =	sand.u32 $0x3C00, s2;
	s2 =	sld [smem:$0x7E9];
	[tilespmem:s18+$0x0 ss:$0x81] =	vst.msk $0xffff, v5  }
0x129: {  	s24 =	simm.s32 $0x780;
	s13 =	sld [smem:$0x7DC]  }
0x12a: {  	s0 =	sand.u32 $0x3C00, s24;
	s24 =	sld [smem:$0x7E8]  }
0x12b: {  	v8 =	vld.idx.msk [tilespmem:v0+s4+$0x10 ss:$0x1], $0xffff;
	s1 =	sadd.s32 s20, s1;
	s17 =	sld [smem:$0x7E7]  }
0x12c: {  	s31 =	sld [smem:$0x7E6];
	[tilespmem:s1+$0x0 ss:$0x81] =	vst.msk $0xffff, v7;
	s23 =	sadd.s32 s20, s13  }
0x12d: {  	[tilespmem:s23+$0x0 ss:$0x81] =	vst.msk $0xffff, v6  }
0x12e: {  	s30 =	sld [smem:$0x7E4]  }
0x12f: {  	s0 =	sadd.s32 s22, s0;
	s19 =	sadd.s32 s20, s2;
	s29 =	sld [smem:$0x7E3]  }
0x130: {  	s7 =	sand.u32 $0x3C00, s0;
	s11 =	simm.s32 $0x100;
	v1 =	vld.idx.msk [tilespmem:v0+s4+$0x20 ss:$0x1], $0xffff;
	s28 =	sld [smem:$0x7E2];
	[tilespmem:s19+$0x0 ss:$0x81] =	vst.msk $0xffff, v8  }
.Ltmp12:
0x131: {  	v2 =	vld.idx.msk [tilespmem:v0+s4+$0x30 ss:$0x1], $0xffff;
	s16 =	sadd.s32 s20, s24;
	s18 =	sld [smem:$0x7E1];
	(pc) =	sbr.rel @!p3 .LBB1_11-.Ltmp12, $4  }
0x132: {  	v3 =	vld.idx.msk [tilespmem:v0+s4+$0x40 ss:$0x1], $0xffff;
	s21 =	sadd.s32 s20, s17;
	s10 =	sadd.s32 s20, s31;
	s12 =	sld [smem:$0x7DA]  }
0x133: {  	v4 =	vld.idx.msk [tilespmem:v0+s4+$0x50 ss:$0x1], $0xffff;
	s0 =	smov.u32 s17;
	s1 =	smov.u32 s24;
	s19 =	simm.s32 $0xF80  }
0x134: {  	v5 =	vld.idx.msk [tilespmem:v0+s4+$0x60 ss:$0x1], $0xffff;
	s6 =	sld [smem:$0x7EA];
	s5 =	sadd.s32 s20, s30;
	s23 =	sadd.s32 s20, s29  }
0x135: {  	v6 =	vld.idx.msk [tilespmem:v0+s4+$0x70 ss:$0x1], $0xffff;
	s3 =	sadd.s32 s20, s28;
	s27 =	sadd.s32 s20, s18;
	s4 =	sadd.s32 s20, s12  }
.LBB1_10:
0x136: {  	s17 =	sadd.s32 $0xFFFFFD00, s19  }
0x137: {  	s24 =	sadd.s32 $0xFFFFFF80, s19;
	s11 =	sadd.s32 $0x100, s11;
	s15 =	sadd.s32 $0x8100, s15  }
0x138: {  	s12 =	sadd.s32 $0x8100, s12;
	s13 =	sadd.s32 $0x8100, s13;
	s8 =	sadd.s32 $0x8100, s8  }
0x139: {  	s9 =	sadd.s32 $0x8100, s9;
	s25 =	sadd.s32 $0x8100, s25;
	s26 =	sadd.s32 $0x8100, s26;
	[tilespmem:s16+$0x0 ss:$0x81] =	vst.msk $0xffff, v1  }
0x13a: {  	s18 =	sadd.s32 $0x8100, s18;
	s28 =	sadd.s32 $0x8100, s28;
	v1 =	vld.idx.msk [tilespmem:v0+s14+$0x0 ss:$0x1], $0xffff;
	s14 =	sadd.s32 $0xFFFFFD80, s19;
	[tilespmem:s21+$0x0 ss:$0x81] =	vst.msk $0xffff, v2  }
0x13b: {  	s16 =	sand.u32 $0x3C00, s24;
	s24 =	rddreg [dreg:$0x4];
	v2 =	vld.idx.msk [tilespmem:v0+s7+$0x70 ss:$0x1], $0xffff;
	s7 =	sadd.s32 $0xFFFFFE00, s19;
	[tilespmem:s10+$0x0 ss:$0x81] =	vst.msk $0xffff, v3  }
0x13c: {  	s21 =	sadd.s32 $0xFFFFFE80, s19;
	s10 =	sand.u32 $0x3C00, s17;
	[tilespmem:s23+$0x0 ss:$0x81] =	vst.msk $0xffff, v5;
	s23 =	rddreg [dreg:$0x3]  }
0x13d: {  	p3 =	slt.s32 s11, s24;
	s16 =	sadd.s32 s22, s16;
	s24 =	sadd.s32 $0xFFFFFF00, s19  }
0x13e: {  	s14 =	sand.u32 $0x3C00, s14;
	s7 =	sand.u32 $0x3C00, s7;
	s16 =	sand.u32 $0x3C00, s16  }
0x13f: {  	[tilespmem:s5+$0x0 ss:$0x81] =	vst.msk $0xffff, v4;
	s21 =	sand.u32 $0x3C00, s21;
	v3 =	vld.idx.msk [tilespmem:v0+s16+$0x60 ss:$0x1], $0xffff;
	s16 =	sadd.s32 s19, s23;
	s23 =	sadd.s32 s22, s10  }
0x140: {  	[tilespmem:s3+$0x0 ss:$0x81] =	vst.msk $0xffff, v6;
	s17 =	sand.u32 $0x3C00, s24;
	s5 =	sadd.s32 s22, s14;
	s3 =	sand.u32 $0x3C00, s23  }
0x141: {  	s24 =	sand.u32 $0x3C00, s19;
	s14 =	sadd.s32 s22, s21;
	s5 =	sand.u32 $0x3C00, s5;
	[tilespmem:s27+$0x0 ss:$0x81] =	vst.msk $0xffff, v1;
	v1 =	vld.idx.msk [tilespmem:v0+s3+$0x10 ss:$0x1], $0xffff  }
0x142: {  	s7 =	sadd.s32 s22, s7;
	s17 =	sadd.s32 s22, s17;
	s23 =	sand.u32 $0x3C00, s14;
	[tilespmem:s4+$0x0 ss:$0x81] =	vst.msk $0xffff, v2;
	v2 =	vld.idx.msk [tilespmem:v0+s5+$0x20 ss:$0x1], $0xffff  }
0x143: {  	s10 =	sadd.s32 $0xFFFFF880, s16;
	s17 =	sand.u32 $0x3C00, s17;
	s4 =	sadd.s32 $0xFFFFFC80, s16;
	v4 =	vld.idx.msk [tilespmem:v0+s23+$0x40 ss:$0x1], $0xffff  }
0x144: {  	s16 =	sadd.s32 s22, s24;
	s24 =	sadd.s32 s20, s15;
	s3 =	sand.u32 $0x3C00, s7;
	v5 =	vld.idx.msk [tilespmem:v0+s17+$0x50 ss:$0x1], $0xffff  }
0x145: {  	s29 =	sadd.s32 $0x8100, s29;
	s30 =	sadd.s32 $0x8100, s30;
	[tilespmem:s24+$0x0 ss:$0x81] =	vst.msk $0xffff, v3;
	s24 =	sand.u32 $0x3C00, s10;
	v3 =	vld.idx.msk [tilespmem:v0+s3+$0x30 ss:$0x1], $0xffff  }
0x146: {  	s31 =	sadd.s32 $0x8100, s31;
	s0 =	sadd.s32 $0x8100, s0;
	s17 =	sadd.s32 s20, s26;
	v6 =	vld.idx.msk [tilespmem:v0+s24+$0x0 ss:$0x1], $0xffff  }
0x147: {  	s1 =	sadd.s32 $0x8100, s1;
	s2 =	sadd.s32 $0x8100, s2;
	s21 =	sadd.s32 s20, s25;
	v7 =	vld.idx.msk [tilespmem:v0+s24+$0x10 ss:$0x1], $0xffff;
	[tilespmem:s17+$0x0 ss:$0x81] =	vst.msk $0xffff, v1  }
0x148: {  	s6 =	sadd.s32 $0x8100, s6;
	s14 =	sand.u32 $0x3C00, s4;
	s4 =	sadd.s32 s20, s8;
	v1 =	vld.idx.msk [tilespmem:v0+s24+$0x20 ss:$0x1], $0xffff;
	[tilespmem:s21+$0x0 ss:$0x81] =	vst.msk $0xffff, v2  }
.Ltmp13:
0x149: {  	s19 =	sadd.s32 $0x800, s19;
	s23 =	sadd.s32 s20, s9;
	v2 =	vld.idx.msk [tilespmem:v0+s24+$0x30 ss:$0x1], $0xffff;
	[tilespmem:s4+$0x0 ss:$0x81] =	vst.msk $0xffff, v4;
	(pc) =	sbr.rel @p3 .LBB1_10-.Ltmp13, $4  }
0x14a: {  	s5 =	sadd.s32 s20, s6;
	s27 =	sadd.s32 s20, s18;
	v4 =	vld.idx.msk [tilespmem:v0+s24+$0x50 ss:$0x1], $0xffff;
	[tilespmem:s23+$0x0 ss:$0x81] =	vst.msk $0xffff, v3;
	s23 =	sadd.s32 s20, s13  }
0x14b: {  	s7 =	sand.u32 $0x3C00, s16;
	s16 =	sadd.s32 s20, s1;
	s10 =	sadd.s32 s20, s31;
	v3 =	vld.idx.msk [tilespmem:v0+s24+$0x40 ss:$0x1], $0xffff;
	[tilespmem:s23+$0x0 ss:$0x81] =	vst.msk $0xffff, v5  }
0x14c: {  	s3 =	sadd.s32 s20, s28;
	s17 =	sadd.s32 s20, s2;
	s21 =	sadd.s32 s20, s0;
	[tilespmem:s5+$0x0 ss:$0x81] =	vst.msk $0xffff, v6;
	v5 =	vld.idx.msk [tilespmem:v0+s24+$0x60 ss:$0x1], $0xffff  }
0x14d: {  	s4 =	sadd.s32 s20, s12;
	s5 =	sadd.s32 s20, s30;
	s23 =	sadd.s32 s20, s29;
	[tilespmem:s17+$0x0 ss:$0x81] =	vst.msk $0xffff, v7;
	v6 =	vld.idx.msk [tilespmem:v0+s24+$0x70 ss:$0x1], $0xffff  }
.LBB1_11:
0x14e: {  	_ =	sdelay $0x2  }
0x14f: {  	[tilespmem:s16+$0x0 ss:$0x81] =	vst.msk $0xffff, v1  }
0x150: {  	v62 =	vld.idx.msk [tilespmem:v0+s14+$0x0 ss:$0x1], $0xffff;
	[tilespmem:s21+$0x0 ss:$0x81] =	vst.msk $0xffff, v2  }
0x151: {  	v63 =	vld.idx.msk [tilespmem:v0+s7+$0x70 ss:$0x1], $0xffff;
	[tilespmem:s10+$0x0 ss:$0x81] =	vst.msk $0xffff, v3  }
0x152: {  	[tilespmem:s5+$0x0 ss:$0x81] =	vst.msk $0xffff, v4  }
0x153: {  	[tilespmem:s23+$0x0 ss:$0x81] =	vst.msk $0xffff, v5  }
0x154: {  	[tilespmem:s3+$0x0 ss:$0x81] =	vst.msk $0xffff, v6  }
0x155: {  	[tilespmem:s27+$0x0 ss:$0x81] =	vst.msk $0xffff, v62  }
0x156: {  	[tilespmem:s4+$0x0 ss:$0x81] =	vst.msk $0xffff, v63  }
0x157: {  	s6 =	rddreg [dreg:$0x1b]  }
0x158: {  	s7 =	sld [smem:$0x7FD]  }
0x159: {  	s8 =	rddreg [dreg:$0x4]  }
0x15a: {  	s9 =	sld [smem:$0x7EC]  }
0x15b: {  	s10 =	sld [smem:$0x7D7]  }
0x15c: {  	s11 =	rddreg [dreg:$0x3]  }
0x15d: {  	s12 =	sld [smem:$0x7D6]  }
0x15e: {  	s2 =	sld [smem:$0x7D8]  }
.LBB1_12:
.Ltmp14:
0x15f: {  	(pc) =	sbr.rel @p2 .LBB1_15-.Ltmp14, $1  }
0x160: {  	_ =	sdelay $0x3  }
0x161: {  	s0 =	sld [smem:$0x7EB];
	_ =	sdelay $0x2  }
0x162: {  	s0 =	sadd.s32 s2, s0;
	s2 =	sld [smem:$0x7FB]  }
0x163: {  	s1 =	sand.u32 $0x380, s22  }
0x164: {  	s3 =	smov.u32 s8;
	s1 =	sadd.s32 s1, s9  }
.LBB1_14:
0x165: {  	s4 =	sand.u32 $0x3C00, s2  }
0x166: {  	s4 =	sadd.s32 s22, s4  }
0x167: {  	s4 =	sand.u32 $0x3C00, s4  }
0x168: {  	s5 =	sand.u32 $0x70, s3;
	s4 =	sadd.s32 s4, s1  }
0x169: {  	s3 =	sadd.s32 $0x10, s3;
	s4 =	sadd.s32 s5, s4  }
0x16a: {  	p3 =	slt.s32 s3, s7;
	v0 =	vld [tilespmem:s4+$0x0]  }
.Ltmp15:
0x16b: {  	_ = 	snop;
	(pc) =	sbr.rel @p3 .LBB1_14-.Ltmp15, $2  }
0x16c: {  	_ =	sdelay $0x2  }
0x16d: {  	s2 =	sadd.s32 $0x80, s2;
	[tilespmem:s0+$0x0 ss:$0x81] =	vst.msk $0xffff, v0;
	s0 =	sadd.s32 $0x810, s0  }
.Ltmp16:
0x16e: {  	_ = 	snop;
	(pc) =	sbr.rel .LBB1_15-.Ltmp16, $1  }
0x16f: {  	_ =	sdelay $0x3  }
.LBB1_20:
0x170: {  	_ =	sfence.sel $0x180000  }
0x171: {  	s0 =	simm.s32 $0x1;
	[bflag:$0x0] =	sbarrier.arrive $0xFFFF  }
0x172: {  	s30 =	simm.s32 $0x2;
	[sflag:s0] =	ssyncpa.u1 $0x1  }
0x173: {  	[sflag:s30] =	ssyncpa.u1 $0x1  }
0x174: {  	_ =	strace $0x90000047  }
0x175: {  	s31 =	stileid.u32;
	[bflag:$0x2] =	sbarrier.arrive $0xFFFF  }
0x176: {  	p0 =	sne.s32 s31, $0x0;
	s0 =	rddreg [dreg:$0x2]  }
0x177: {  	s0 =	sadd.s32 @!p0 $0x100000, s0  }
0x178: {  	[sflag:s0] =	ssyncadd.tile.s32 @!p0 $0x1;
	_ =	shalt  }
.Lfunc_end1:
_tile_overlayer_lowered:
.L_overlay_start_2:
0x179: {  	(tag) =	ssettag $0x2  }
0x17a: {  	s0 =	rddreg [dreg:$0x0];
	s2 =	stileid.u32  }
0x17b: {  	s1 =	rddreg [dreg:$0x1];
	p0 =	sne.s32 s2, $0x0  }
0x17c: {  	s3 =	rddreg [dreg:$0x2];
	[bflag:$0x3] =	sbarrier.arrive $0xFFFF;
	s2 =	simm.s32 @!p0 $0x1C01  }
0x17d: {  	[timem:s3], [sflag:s2] =	dma.local @!p0 [hbm:s0], s1  }
0x17e: {  	s0 =	simm.s32 @!p0 $0x1  }
0x17f: {  	_ =	swait.ge @!p0 [sflag:s0], s1  }
0x180: {  	s1 =	ssub.s32 @!p0 $0x0, s1;
	[sflag:s0] =	ssyncset.done @!p0 $0x0  }
0x181: {  	[sflag:s0] =	ssyncadd.s32 @!p0 s1  }
0x182: {  	[bflag:$0x3] =	sbarrier.arrive $0xFFFF  }
0x183: {  	_ =	shalt  }

// kernel: sparse-core-data-format-call.cloned.1.call-start
scs
called_computation_lowered:
.L_overlay_start_0:
0x0: {  	s2 =	sld [smem:$0x3FD9]  }
0x1: {  	s3 =	sld [smem:$0x3FFE];
	_ =	sdelay $0x1  }
0x2: {  	s1 =	srdreg.scid  }
0x3: {  	s0 =	sand.u32 $0x1, s1  }
0x4: {  	s18 =	sshll.u32 s0, $0xA;
	s2 =	sadd.s32 s3, s2  }
0x5: {  	s2 =	sadd.s32 s2, s18  }
0x6: {  	[smem:$0x3FC7] =	sst s2  }
0x7: {  	_ = 	snop  }
0x8: {  	s2 =	sld [smem:$0x3FD0];
	(tm) =	ssettm $0x1  }
0x9: {  	s19 =	sld [smem:$0x3FFB];
	_ =	sdelay $0x3  }
0xa: {  	_ =	strace s19  }
0xb: {  	s3 =	sld [smem:$0x3FFC];
	_ =	sdelay $0x3  }
0xc: {  	_ =	strace s3  }
0xd: {  	s3 =	sld [smem:$0x3FFD];
	_ =	sdelay $0x3  }
0xe: {  	_ =	strace s3  }
0xf: {  	_ =	strace $0x8FFFFFFF  }
0x10: {  	s20 =	sld [smem:$0x3FDB];
	_ =	sdelay $0x1  }
0x11: {  	s4 =	simm.s32 $_scs_section_size  }
0x12: {  	s5 =	simm.s32 $_size__tile_overlayer_lowered;
	s6 =	simm.s32 $_tile_overlayer_lowered  }
0x13: {  	s23 =	simm.s32 $0x1BFF;
	s22 =	sshll.u32 s6, $0x1;
	s3 =	sadd.s32 s4, s20  }
0x14: {  	s7 =	simm.s32 $0x0;
	s21 =	sshll.u32 s5, $0x1;
	s5 =	sadd.s32 s22, s3  }
0x15: {  	[timem:s7], [sflag:s23] =	dma.local [hbm:s5], s21  }
0x16: {  	_ =	swait.ge [sflag:s23], s21  }
0x17: {  	s4 =	ssub.s32 $0x0, s21;
	[sflag:s23] =	ssyncset.done $0x0  }
0x18: {  	[sflag:s23] =	ssyncadd.s32 s4;
	_ =	sdelay $0x1  }
0x19: {  	s24 =	simm.s32 $0x1B8B  }
0x1a: {  	_ =	swait.ge [sflag:s24], $0x1  }
0x1b: {  	[sflag:s24] =	ssyncset.done $0x0  }
0x1c: {  	s26 =	simm.s32 $0x1B8E;
	s25 =	sld [smem:$0x3FFE];
	[sflag:s24] =	ssyncadd.s32 $0xFFFFFFFF  }
0x1d: {  	s27 =	simm.s32 $execute0_lowered;
	[smem:$0x3FD2] =	sst s26  }
0x1e: {  	s5 =	sshll.u32 s27, $0x1;
	_ =	strace $0x8000004C;
	[dreg:$0x1] =	wrdreg $0xFFFFFFFF  }
0x1f: {  	s28 =	simm.s32 $_size_execute0_lowered;
	s3 =	sadd.s32 s3, s5;
	[dreg:$0x0] =	wrdreg $0x0  }
0x20: {  	s5 =	sshll.u32 s28, $0x1;
	[dreg:$0x2] =	wrdreg s3  }
0x21: {  	[dreg:$0x3] =	wrdreg s5  }
0x22: {  	[dreg:$0x4] =	wrdreg $0xC0  }
0x23: {  	_ =	task [dreg:s7], $0x5FFFF  }
0x24: {  	[dreg:$0x1] =	wrdreg $0xFFFFFFFF  }
0x25: {  	[dreg:$0x0] =	wrdreg $0x60  }
0x26: {  	[dreg:$0x2] =	wrdreg s25  }
0x27: {  	[dreg:$0x3] =	wrdreg s2  }
0x28: {  	[dreg:$0x4] =	wrdreg $0x9  }
0x29: {  	_ =	task.clear_ibuf [dreg:s7], $0x5FFFF;
	_ =	strace $0x9000004C  }
0x2a: {  	s29 =	simm.s32 $0x9;
	_ =	strace $0x8000004E  }
0x2b: {  	_ =	swait.ge [sflag:s29], $0x1  }
0x2c: {  	[sflag:s29] =	ssyncadd.s32 $0xFFFFFFFF  }
0x2d: {  	_ =	strace $0x9000004E  }
0x2e: {  	_ =	sfence  }
0x2f: {  	s30 =	sld [smem:$0x0];
	_ =	sdelay $0x2  }
0x30: {  	s31 =	sshll.u32 s1, $0xD;
	s1 =	sshrl.u32 s1, $0x2  }
0x31: {  	s3 =	sand.u32 $0x4000, s31;
	s1 =	sadd.s32 s1, s30  }
0x32: {  	s0 =	sor.u32 s3, s0;
	s1 =	sshll.u32 s1, $0x11  }
0x33: {  	s0 =	sor.u32 s1, s0  }
0x34: {  	s0 =	sadd.s32 $0x8F2B, s0  }
0x35: {  	[sflag:s0] =	ssyncadd.remote.s32 $0x1  }
0x36: {  	_ =	sfence.sel $0xFFFF  }
0x37: {  	[dreg:$0x0] =	wrdreg $0xFFFFFFFF;
	(pc) =	sbr.abs _section_cstart, $3  }
0x38: {  	[dreg:$0x1] =	wrdreg $0xFFFFFFFF  }
0x39: {  	_ =	task.clear_ibuf [dreg:s7], $0x2FFFF;
	_ =	strace $0x9FFFFFFF  }
0x3a: {  	(tm) =	ssettm $0x7FFFFFFF  }
0x3b: {  	_ =	shalt  }
tec
execute0_lowered:
.L_overlay_start_1:
0x0: {  	(tag) =	ssettag $0x1  }
0x1: {  	s0 =	rddreg [dreg:$0x0];
	_ =	strace $0x8000004D;
	s31 =	srdreg.scid  }
0x2: {  	s2 =	stileid.u32;
	s4 =	simm.s32 $0x1;
	s1 =	simm.s32 $0x2  }
0x3: {  	s14 =	simm.s32 $0x0;
	s6 =	simm.s32 $0xE000;
	s15 =	simm.s32 $0x0  }
.Ltmp0:
0x4: {  	s16 =	simm.s32 $0x0;
	s7 =	simm.s32 $0x0;
	(pc) =	sbr.rel .LBB1_1-.Ltmp0, $4  }
0x5: {  	s9 =	simm.s32 $0x0;
	s3 =	sadd.s32 $0x621000, s0;
	s0 =	sshll.u32 s31, $0x4  }
0x6: {  	s11 =	simm.s32 $0x0;
	s10 =	simm.s32 $0x0;
	s0 =	sand.u32 $0x10, s0  }
0x7: {  	s12 =	simm.s32 $0x0;
	[sflag:s4] =	ssyncpa.u1 $0x0;
	s5 =	sor.u32 s2, s0  }
0x8: {  	s8 =	simm.s32 $0x0;
	[sflag:s1] =	ssyncpa.u1 $0x0;
	s13 =	smov.u32 s5  }
.LBB1_13:
0x9: {  	s0 =	sshll.u32 s9, $0x8;
	s1 =	sshll.u32 s7, $0x3  }
0xa: {  	p0 =	sgt.s32 s7, $0x80;
	s2 =	smov.u32 s7;
	s20 =	sshll.u32 s9, $0x7  }
0xb: {  	s0 =	sand.u32 $0xFFFFF800, s0;
	s1 =	sand.u32 $0xFFFFFC00, s1;
	s2 =	simm.s32 @!p0 $0x80  }
0xc: {  	s31 =	sand.u32 $0x300, s20;
	s0 =	sadd.s32 s0, s1;
	s2 =	sadd.s32 s18, s2  }
0xd: {  	s25 =	smul.u32 $0x5400, s11;
	s0 =	sor.u32 s31, s0;
	s21 =	sadd.s32 $0xFFFFFF80, s2  }
0xe: {  	s1 =	ssub.s32 $0x100, s2;
	s0 =	sshrl.u32 s0, $0x8;
	p0 =	sgt.s32 s21, $0x7F  }
0xf: {  	s22 =	smulhi.u32 $0x124924A, s0;
	s1 =	simm.s32 @p0 $0x0  }
0x10: {  	s23 =	sand.u32 $0x78, s7;
	s24 =	sand.u32 $0x80, s20;
	s1 =	smul.u32 s1, s17  }
0x11: {  	s27 =	rddreg [dreg:$0x1];
	s17 =	sor.u32 s23, s24;
	s2 =	smul.u32 $0xE0, s22  }
0x12: {  	s28 =	sand.u32 $0x7, s7;
	s30 =	sor.u32 $0x2000, s19;
	s26 =	sshrl.u32 s17, $0x3  }
0x13: {  	s17 =	sadd.s32 s27, s25;
	s1 =	smul.u32 $0x3, s1;
	s0 =	ssub.s32 s0, s2  }
0x14: {  	s29 =	sshll.u32 s28, $0x12;
	s2 =	sadd.s32 s26, s17;
	s0 =	sshll.u32 s0, $0x5  }
0x15: {  	s31 =	sor.u32 $0x80, s29;
	s1 =	sand.u32 $0x3FFFFFFF, s1;
	s0 =	sadd.s32 s0, s2  }
0x16: {  	[hbm4b:s0+s31] =	stream.strided.scatter [tilespmem:s30], [sflag:$0x2], s1, s6, s31, $0x20;
	[tilespmem:$0x4040] =	vst v63  }
.LBB1_14:
0x17: {  	p0 =	slt.u32 s8, $0x2  }
0x18: {  	p1 =	sgt.s32 @!p0 s16, $0x3F  }
0x19: {  	s0 =	smov.u32 s16;
	s1 =	sshra.s32 @!p0 s16, $0x1F;
	p1 =	por !p1, p0  }
0x1a: {  	s1 =	sand.u32 @!p0 s1, s16;
	s0 =	simm.s32 @p1 $0x3F  }
0x1b: {  	p1 =	sgt.s32 @!p0 s15, $0xDF;
	s0 =	ssub.s32 @!p0 s0, s1  }
0x1c: {  	s2 =	sshra.s32 @!p0 s15, $0x1F;
	p1 =	por !p1, p0;
	s1 =	sadd.s32 @!p0 $0xFFFFFFC1, s0  }
0x1d: {  	s0 =	ssub.s32 @!p0 $0x40, s0;
	p2 =	sgt.s32 @!p0 s1, $0x0;
	s1 =	smov.u32 s15  }
0x1e: {  	s2 =	sand.u32 @!p0 s2, s15;
	s0 =	smul.u32 @!p0 $0x3, s0;
	s1 =	simm.s32 @p1 $0xDF  }
0x1f: {  	s15 =	smov.u32 s14;
	p1 =	sgt.s32 @!p0 s14, $0x80;
	s1 =	ssub.s32 @!p0 s1, s2  }
0x20: {  	p2 =	por !p2, p0;
	p1 =	por !p1, p0;
	s2 =	sadd.s32 @!p0 $0xFFFFFF21, s1  }
0x21: {  	s15 =	simm.s32 @p1 $0x80;
	p1 =	sgt.s32 @!p0 s2, $0x0;
	s2 =	sshra.s32 @!p0 s14, $0x1F  }
0x22: {  	s1 =	ssub.s32 @!p0 $0xE0, s1;
	p1 =	por !p1, p0;
	s2 =	sand.u32 @!p0 s2, s14  }
0x23: {  	s0 =	simm.s32 @!p2 $0x0;
	s1 =	simm.s32 @!p1 $0x0;
	s2 =	ssub.s32 @!p0 s15, s2  }
0x24: {  	s0 =	smul.u32 @!p0 s1, s0;
	s1 =	sadd.s32 @!p0 $0xFFFFFF80, s2  }
0x25: {  	p1 =	sgt.s32 @!p0 s1, $0x7F;
	s1 =	ssub.s32 @!p0 $0x100, s2;
	s2 =	sadd.s32 $0x80, s10  }
0x26: {  	s14 =	simm.s32 $0x1;
	p1 =	por !p1, p0;
	p2 =	sgt.s32 s2, $0xDF  }
0x27: {  	s1 =	simm.s32 @!p1 $0x0;
	s14 =	simm.s32 @!p2 $0x0  }
0x28: {  	s0 =	smul.u32 @!p0 s1, s0;
	s1 =	sadd.s32 s14, s12  }
0x29: {  	s17 =	smov.u32 s13;
	s14 =	sadd.s32 $0x20, s13;
	p1 =	sgt.s32 s1, $0xDF  }
0x2a: {  	s8 =	sadd.s32 $0x1, s8;
	s17 =	smov.u32 @p1 s14  }
0x2b: {  	s18 =	simm.s32 @!p0 $0x2;
	s1 =	simm.s32 @p1 $0x0;
	p1 =	sgt.s32 s17, $0x3F  }
0x2c: {  	s16 =	smov.u32 s11;
	s17 =	smov.u32 @p1 s5;
	p1 =	sne.s32 s8, $0x382  }
.Ltmp1:
0x2d: {  	s11 =	smov.u32 s13;
	s15 =	smov.u32 s9;
	(pc) =	sbr.rel @!p1 .LBB1_15-.Ltmp1, $4  }
0x2e: {  	s9 =	smov.u32 s12;
	s2 =	simm.s32 @p2 $0x0;
	s0 =	sand.u32 @!p0 $0x3FFFFFFF, s0  }
0x2f: {  	s14 =	smov.u32 s7;
	s7 =	smov.u32 s10;
	_ =	swait.ge @!p0 [sflag:s18], s0  }
0x30: {  	s10 =	smov.u32 s2;
	s0 =	ssub.s32 @!p0 $0x0, s0;
	[sflag:s18] =	ssyncset.done @!p0 $0x0  }
0x31: {  	s12 =	smov.u32 s1;
	[sflag:s18] =	ssyncadd.s32 @!p0 s0;
	s13 =	smov.u32 s17  }
.LBB1_1:
0x32: {  	p0 =	sgt.u32 s8, $0x37F;
	s17 =	smov.u32 s13  }
0x33: {  	s19 =	smov.u32 s12;
	s0 =	sand.u32 @!p0 $0x1FFFFFF, s10;
	p1 =	sgt.s32 @!p0 s13, $0x3F  }
0x34: {  	s18 =	sshra.s32 @!p0 s13, $0x1F;
	s20 =	sshra.s32 @!p0 s12, $0x1F;
	p1 =	por !p1, p0  }
0x35: {  	s1 =	smulhi.u32 @!p0 $0x2492493, s0;
	s17 =	simm.s32 @p1 $0x3F;
	p1 =	sgt.s32 @!p0 s12, $0xDF  }
0x36: {  	s18 =	sand.u32 @!p0 s18, s13;
	s20 =	sand.u32 @!p0 s20, s12;
	p1 =	por !p1, p0  }
0x37: {  	s1 =	sshrl.u32 @!p0 s1, $0x1;
	s17 =	ssub.s32 @!p0 s17, s18;
	s19 =	simm.s32 @p1 $0xDF  }
0x38: {  	p1 =	sgt.s32 @!p0 s10, $0x60;
	s17 =	sadd.s32 @!p0 $0xFFFFFFC1, s17;
	s18 =	ssub.s32 @!p0 s19, s20  }
0x39: {  	p1 =	por !p1, p0;
	s20 =	smov.u32 s10;
	s19 =	sadd.s32 @!p0 $0xFFFFFF21, s18  }
0x3a: {  	s20 =	simm.s32 @p1 $0x60;
	p2 =	sgt.s32 @!p0 s19, $0x0;
	s19 =	sshra.s32 @!p0 s10, $0x1F  }
0x3b: {  	p1 =	sgt.s32 @!p0 s17, $0x0;
	s17 =	sshll.u32 @!p0 s17, $0x5;
	s19 =	sand.u32 @!p0 s19, s10  }
0x3c: {  	s18 =	ssub.s32 @!p0 $0xE0, s18;
	s17 =	ssub.s32 @!p0 $0x20, s17;
	s19 =	ssub.s32 @!p0 s20, s19  }
0x3d: {  	p1 =	por !p1, p0;
	p2 =	por !p2, p0;
	s20 =	sadd.s32 @!p0 $0xFFFFFFA0, s19  }
0x3e: {  	s17 =	simm.s32 @!p1 $0x0;
	s18 =	simm.s32 @!p2 $0x0;
	p2 =	sgt.s32 @!p0 s20, $0x7F  }
0x3f: {  	s19 =	ssub.s32 @!p0 $0xE0, s19;
	s17 =	smul.u32 @!p0 s18, s17;
	p1 =	por !p2, p0  }
0x40: {  	s1 =	smul.u32 @!p0 $0xE0, s1;
	s19 =	simm.s32 @!p1 $0x0  }
0x41: {  	s17 =	smul.u32 @!p0 s19, s17  }
0x42: {  	s19 =	smul.u32 @!p0 $0xC4000, s13  }
0x43: {  	s0 =	ssub.s32 @!p0 s0, s1;
	s18 =	sxor.u32 @!p0 $0xFFFFFFFF, s8;
	s20 =	smul.u32 @!p0 $0xE00, s12  }
0x44: {  	s0 =	sshll.u32 @!p0 s0, $0x4;
	s18 =	sshll.u32 @!p0 s18, $0xC;
	s1 =	sadd.s32 @!p0 s3, s19  }
0x45: {  	s18 =	sand.u32 @!p0 $0x1000, s18;
	s17 =	sand.u32 @!p0 $0x3FFFFFE0, s17;
	s1 =	sadd.s32 @!p0 s20, s1  }
0x46: {  	s19 =	simm.s32 @!p0 $0x80;
	s0 =	sadd.s32 @!p0 s0, s1;
	s1 =	simm.s32 @!p0 $0x20  }
0x47: {  	[tilespmem:s18], [sflag:$0x1] =	stream.strided.gather @!p0 [hbm4b:s0+s1], s17, s19, s1, $0x38;
	[tilespmem:$0x4040] =	vst v63  }
0x48: {  	p0 =	seq.s32 s8, $0x0  }
0x49: {  	p1 =	seq.s32 @!p0 s8, $0x381  }
0x4a: {  	p0 =	por p0, p1  }
.Ltmp2:
0x4b: {  	_ = 	snop;
	(pc) =	sbr.rel @p0 .LBB1_14-.Ltmp2, $1  }
0x4c: {  	_ =	sdelay $0x3  }
0x4d: {  	p0 =	sgt.s32 s11, $0x3F;
	s0 =	smov.u32 s11;
	s1 =	sshra.s32 s11, $0x1F  }
0x4e: {  	s17 =	smov.u32 s9;
	s18 =	sshra.s32 s9, $0x1F;
	s27 =	ssub.s32 $0x0, s7  }
0x4f: {  	s28 =	sshra.s32 s7, $0x1F;
	p2 =	sgt.s32 s7, $0x60;
	s19 =	smov.u32 s7  }
0x50: {  	s0 =	simm.s32 @!p0 $0x3F;
	p0 =	sgt.s32 s9, $0xDF;
	s1 =	sand.u32 s1, s11  }
0x51: {  	s18 =	sand.u32 s18, s9;
	s17 =	simm.s32 @!p0 $0xDF;
	s0 =	ssub.s32 s0, s1  }
0x52: {  	s19 =	simm.s32 @!p2 $0x60;
	s25 =	ssub.s32 s17, s18;
	s26 =	sadd.s32 $0xFFFFFFC1, s0  }
0x53: {  	s0 =	ssub.s32 $0x40, s0;
	s18 =	sadd.s32 $0xFFFFFF21, s25;
	p0 =	sgt.s32 s26, $0x0  }
0x54: {  	s1 =	ssub.s32 $0xE0, s25;
	p1 =	sgt.s32 s18, $0x0;
	s18 =	sand.u32 s27, s28  }
0x55: {  	s0 =	simm.s32 @p0 $0x0;
	s1 =	simm.s32 @p1 $0x0;
	s19 =	sadd.s32 s18, s19  }
0x56: {  	s17 =	smul.u32 s0, s1;
	s29 =	sadd.s32 $0xFFFFFFA0, s19  }
0x57: {  	s0 =	ssub.s32 $0xE0, s19;
	s1 =	sadd.s32 $0x1, s11;
	p0 =	sgt.s32 s29, $0x7F  }
0x58: {  	s19 =	sadd.s32 $0x1, s9;
	s0 =	simm.s32 @p0 $0x0;
	p0 =	slt.s32 s1, $0x40  }
0x59: {  	s1 =	simm.s32 @!p0 $0x40;
	p0 =	slt.s32 s19, $0xE0  }
0x5a: {  	s20 =	ssub.s32 s1, s11;
	s19 =	simm.s32 @!p0 $0xE0;
	s1 =	sadd.s32 $0x80, s7  }
0x5b: {  	s21 =	ssub.s32 s19, s9;
	p1 =	slt.s32 s1, $0xE0;
	p0 =	slt.s32 s20, $0x1  }
0x5c: {  	s1 =	simm.s32 @!p1 $0xE0;
	p1 =	slt.s32 @!p0 s21, $0x1  }
0x5d: {  	s22 =	ssub.s32 s1, s7;
	p1 =	por p0, p1  }
0x5e: {  	s0 =	smul.u32 s0, s17;
	p2 =	slt.s32 @!p1 s22, $0x1  }
0x5f: {  	p1 =	por p1, p2  }
.Ltmp3:
0x60: {  	s0 =	sshll.u32 s0, $0x5;
	(pc) =	sbr.rel @p1 .LBB1_13-.Ltmp3, $4  }
0x61: {  	s30 =	sand.u32 $0x3FFFFFE0, s0  }
0x62: {  	_ =	swait.ge [sflag:s4], s30  }
0x63: {  	s0 =	sand.u32 $0x1, s8;
	s31 =	ssub.s32 $0x0, s30;
	[sflag:s4] =	ssyncset.done $0x0  }
0x64: {  	s19 =	smul.u32 $0x1020, s0;
	[sflag:s4] =	ssyncadd.s32 s31  }
.Ltmp4:
0x65: {  	(pc) =	sbr.rel .LBB1_4-.Ltmp4, $2  }
0x66: {  	_ =	sdelay $0x2  }
0x67: {  	s23 =	sshll.u32 @!p0 s0, $0xC;
	s25 =	simm.s32 $0x0;
	s24 =	sor.u32 @!p0 $0x2000, s19  }
.LBB1_12:
0x68: {  	s25 =	sadd.s32 $0x1, s25  }
0x69: {  	p0 =	sne.s32 s25, s20  }
.Ltmp5:
0x6a: {  	_ = 	snop;
	(pc) =	sbr.rel @!p0 .LBB1_13-.Ltmp5, $1  }
0x6b: {  	_ =	sdelay $0x3  }
.LBB1_4:
0x6c: {  	s0 =	smul.u32 $0x4080, s25;
	_ =	sdelay $0x1  }
0x6d: {  	s0 =	sshra.s32 s0, $0x2  }
0x6e: {  	s27 =	simm.s32 $0x0;
	s26 =	sadd.s32 s0, s24  }
.LBB1_5:
0x6f: {  	s0 =	sadd.s32 s25, s27  }
0x70: {  	s0 =	sshll.u32 s0, $0xE  }
0x71: {  	p1 =	sne.s32 s22, $0x1;
	s0 =	sshra.s32 s0, $0x2  }
.Ltmp6:
0x72: {  	s1 =	sand.u32 $0x7, s27;
	s29 =	sadd.s32 s0, s23;
	(pc) =	sbr.rel @!p1 .LBB1_6-.Ltmp6, $3  }
0x73: {  	s1 =	smul.u32 $0x204, s1;
	v0 =	vmov s29;
	_ =	sdelay $0x1  }
0x74: {  	p0 =	por $0x0, $0x0;
	s30 =	sshrl.u32 s1, $0x2;
	s0 =	simm.s32 $0x0  }
0x75: {  	s28 =	sadd.s32 s30, s26;
	s29 =	simm.s32 $0x1;
	s31 =	sand.u32 $0xFE0, s0  }
0x76: {  	_ =	sdelay $0x2  }
0x77: {  	p1 =	sne.s32 s22, $0x2  }
.Ltmp7:
0x78: {  	v1 =	vld.idx.msk [tilespmem:v0+s31+$0x0 ss:$0x1], $0xffff;
	(pc) =	sbr.rel @!p1 .LBB1_8-.Ltmp7, $3  }
0x79: {  	_ =	sdelay $0x1  }
0x7a: {  	s30 =	simm.s32 $0x2;
	s1 =	sand.u32 $0x7F, s0;
	s0 =	simm.s32 $0x20  }
0x7b: {  	p0 =	por $0x1, $0x1;
	s31 =	sand.u32 $0xFE0, s0;
	s1 =	sadd.s32 s1, s28  }
.LBB1_9:
0x7c: {  	[tilespmem:s1+$0x0 ss:$0x81] =	vst.msk $0xffff, v1;
	s1 =	smov.u32 s30;
	s30 =	sadd.s32 $0x1, s30  }
0x7d: {  	v1 =	vld.idx.msk [tilespmem:v0+s31+$0x0 ss:$0x1], $0xffff;
	p1 =	sne.s32 s22, s30  }
.Ltmp8:
0x7e: {  	(pc) =	sbr.rel @p1 .LBB1_9-.Ltmp8, $3  }
0x7f: {  	_ =	sdelay $0x1  }
0x80: {  	s2 =	sand.u32 $0x7F, s29;
	s0 =	sadd.s32 $0x20, s0;
	s29 =	smov.u32 s1  }
0x81: {  	s31 =	sand.u32 $0xFE0, s0;
	s1 =	sadd.s32 s2, s28  }
0x82: {  	s0 =	smov.u32 s29  }
.LBB1_11:
0x83: {  	_ =	sdelay $0x2  }
0x84: {  	s27 =	sadd.s32 $0x1, s27  }
0x85: {  	v0 =	vld.idx.msk [tilespmem:v0+s31+$0x0 ss:$0x1], $0xffff;
	[tilespmem:s1+$0x0 ss:$0x81] =	vst.msk @p0 $0xffff, v1;
	p0 =	sne.s32 s27, s21  }
.Ltmp9:
0x86: {  	_ = 	snop;
	(pc) =	sbr.rel @p0 .LBB1_5-.Ltmp9, $4  }
.Ltmp10:
0x87: {  	_ = 	snop;
	(pc) =	sbr.rel @!p0 .LBB1_12-.Ltmp10, $4  }
0x88: {  	s0 =	sand.u32 $0x7F, s0  }
0x89: {  	s0 =	sadd.s32 s0, s28  }
0x8a: {  	[tilespmem:s0+$0x0 ss:$0x81] =	vst.msk $0xffff, v0  }
0x8b: {  	_ = 	snop  }
.LBB1_6:
.Ltmp11:
0x8c: {  	(pc) =	sbr.rel .LBB1_11-.Ltmp11, $2  }
0x8d: {  	_ =	sdelay $0x2  }
0x8e: {  	_ = 	snop  }
.LBB1_8:
.Ltmp12:
0x8f: {  	(pc) =	sbr.rel .LBB1_11-.Ltmp12, $2  }
0x90: {  	_ =	sdelay $0x2  }
0x91: {  	s0 =	simm.s32 $0x1  }
.LBB1_15:
0x92: {  	_ =	sfence.sel $0x180000  }
0x93: {  	s0 =	simm.s32 $0x1;
	[bflag:$0x0] =	sbarrier.arrive $0xFFFF  }
0x94: {  	s30 =	simm.s32 $0x2;
	[sflag:s0] =	ssyncpa.u1 $0x1  }
0x95: {  	[sflag:s30] =	ssyncpa.u1 $0x1  }
0x96: {  	_ =	strace $0x9000004D  }
0x97: {  	s31 =	stileid.u32;
	[bflag:$0x2] =	sbarrier.arrive $0xFFFF  }
0x98: {  	p0 =	sne.s32 s31, $0x0;
	s0 =	rddreg [dreg:$0x2]  }
0x99: {  	s0 =	sadd.s32 @!p0 $0x100000, s0  }
0x9a: {  	[sflag:s0] =	ssyncadd.tile.s32 @!p0 $0x1;
	_ =	shalt  }
.Lfunc_end1:
_tile_overlayer_lowered:
.L_overlay_start_2:
0x9b: {  	(tag) =	ssettag $0x2  }
0x9c: {  	s0 =	rddreg [dreg:$0x0];
	s2 =	stileid.u32  }
0x9d: {  	s1 =	rddreg [dreg:$0x1];
	p0 =	sne.s32 s2, $0x0  }
0x9e: {  	s3 =	rddreg [dreg:$0x2];
	[bflag:$0x3] =	sbarrier.arrive $0xFFFF;
	s2 =	simm.s32 @!p0 $0x1C01  }
0x9f: {  	[timem:s3], [sflag:s2] =	dma.local @!p0 [hbm:s0], s1  }
0xa0: {  	s0 =	simm.s32 @!p0 $0x1  }
0xa1: {  	_ =	swait.ge @!p0 [sflag:s0], s1  }
0xa2: {  	s1 =	ssub.s32 @!p0 $0x0, s1;
	[sflag:s0] =	ssyncset.done @!p0 $0x0  }
0xa3: {  	[sflag:s0] =	ssyncadd.s32 @!p0 s1  }
0xa4: {  	[bflag:$0x3] =	sbarrier.arrive $0xFFFF  }
0xa5: {  	_ =	shalt  }

</sc_bundles>
